<compile_context>
chip_gen: v7x
topology: tpu7x:2x2x1
jax: 0.10.2.dev20260603
libtpu: 0.0.44.dev20260713+nightly
codegen_flags: <defaults>
</compile_context>

<pallas_src>
import functools
import jax
import jax.numpy as jnp
from jax import lax
from jax.experimental import pallas as pl
from jax.experimental.pallas import tpu as pltpu
from jax.experimental.pallas import tpu_sc as plsc

DIM_POS = 64
DIM_TOK = 128
DIM_OUT = DIM_POS + DIM_TOK

_NC = 2
_NS = 16
_NW = _NC * _NS
_L = 16


def _make_kernel(batch, seq):
    assert batch % (_NW * _L * 8) == 0
    bpw = batch // _NW
    mesh = plsc.VectorSubcoreMesh(core_axis_name="c", subcore_axis_name="s")

    @functools.partial(
        pl.kernel,
        out_type=jax.ShapeDtypeStruct((seq, DIM_OUT, batch), jnp.float32),
        mesh=mesh,
        compiler_params=pltpu.CompilerParams(needs_layout_passes=False),
        scratch_types=[
            pltpu.VMEM((seq, bpw), jnp.int32),
            pltpu.VMEM((seq, bpw), jnp.int32),
            [pltpu.VMEM((2 * bpw, DIM_TOK), jnp.float32) for _ in range(2)],
            [pltpu.VMEM((DIM_OUT, bpw), jnp.float32) for _ in range(2)],
            [pltpu.SemaphoreType.DMA for _ in range(2)],
            [pltpu.SemaphoreType.DMA for _ in range(2)],
        ],
    )
    def embed(tok_hbm, pos_hbm, wt_hbm, wp_hbm, out_hbm,
              tok_idx, pos_idx, gbufs, tbufs, gsems, osems):
        wid = lax.axis_index("s") * _NC + lax.axis_index("c")
        b0 = wid * bpw

        pltpu.sync_copy(tok_hbm.at[:, pl.ds(b0, bpw)], tok_idx)
        pltpu.sync_copy(pos_hbm.at[:, pl.ds(b0, bpw)], pos_idx)

        def issue_gather(g, k):
            pltpu.async_copy(wp_hbm.at[pos_idx.at[g]],
                             gbufs[k].at[pl.ds(0, bpw), :], gsems[k])
            pltpu.async_copy(wt_hbm.at[tok_idx.at[g]],
                             gbufs[k].at[pl.ds(bpw, bpw), :], gsems[k])

        def drain_gather(g, k):
            pltpu.make_async_copy(wp_hbm.at[pos_idx.at[g]],
                                  gbufs[k].at[pl.ds(0, bpw), :],
                                  gsems[k]).wait()
            pltpu.make_async_copy(wt_hbm.at[tok_idx.at[g]],
                                  gbufs[k].at[pl.ds(bpw, bpw), :],
                                  gsems[k]).wait()

        def transpose(k):
            gbuf = gbufs[k]
            tbuf = tbufs[k]
            iota = lax.iota(jnp.int32, _L)
            rows_pos = [iota + _L * c for c in range(DIM_POS // _L)]
            rows_tok = [iota + DIM_POS + _L * c for c in range(DIM_TOK // _L)]

            def body_b(b2, carry):
                for u in range(2):
                    b = b2 * 2 + u
                    colv = jnp.full((_L,), b, jnp.int32)
                    for c in range(DIM_POS // _L):
                        v = gbuf[b, pl.ds(_L * c, _L)]
                        plsc.store_scatter(tbuf, [rows_pos[c], colv], v)
                    for c in range(DIM_TOK // _L):
                        v = gbuf[bpw + b, pl.ds(_L * c, _L)]
                        plsc.store_scatter(tbuf, [rows_tok[c], colv], v)
                return carry

            lax.fori_loop(0, bpw // 2, body_b, 0)

        def issue_out(g, k):
            pltpu.async_copy(tbufs[k], out_hbm.at[g, :, pl.ds(b0, bpw)],
                             osems[k])

        def drain_out(k):
            pltpu.make_async_copy(tbufs[k], out_hbm.at[0, :, pl.ds(b0, bpw)],
                                  osems[k]).wait()

        def body(j, carry):
            for kk in range(2):
                i = 2 * j + kk

                @pl.when((i >= 2) & (i < seq + 2))
                def _(i=i, kk=kk):
                    drain_gather(i - 2, kk)

                @pl.when((i >= 4) & (i < seq + 4))
                def _(i=i, kk=kk):
                    drain_out(kk)

                @pl.when((i >= 2) & (i < seq + 2))
                def _(i=i, kk=kk):
                    transpose(kk)
                    issue_out(i - 2, kk)

                @pl.when(i < seq)
                def _(i=i, kk=kk):
                    issue_gather(i, kk)

            return carry

        lax.fori_loop(0, (seq + 4 + 1) // 2, body, 0)

    return embed


def kernel(tokens, pos, W_tokens, W_pos):
    batch, seq = tokens.shape
    tok_t = jnp.transpose(tokens.astype(jnp.int32))
    pos_t = jnp.transpose(pos.astype(jnp.int32))
    wp_pad = jnp.pad(W_pos, ((0, 0), (0, DIM_TOK - DIM_POS)))
    out_p = _make_kernel(batch, seq)(tok_t, pos_t, W_tokens, wp_pad)
    return jnp.transpose(out_p, (2, 0, 1))

# --- scband reference (transcript-rebuilt; emitter-appended) ---
"""Pipeline reference for scband-text-field-embedder-73366631350649 (READ-ONLY COPY).

The authoritative reference and input builder live on the scoring server;
editing this copy changes nothing except your own understanding.
"""

import jax, jax.numpy as jnp
import numpy as np

VOCAB_TOKENS = 100000
DIM_TOKENS = 128
VOCAB_POS = 1000
DIM_POS = 64
BATCH = 4096
SEQ = 50

def _xavier_uniform(key, shape):
    fan_in, fan_out = shape[0], shape[1]
    a = float(np.sqrt(6.0 / (fan_in + fan_out)))
    return jax.random.uniform(key, shape, dtype=jnp.float32, minval=-a, maxval=a)

def setup_inputs(seed: int = 0) -> dict:
    key = jax.random.key(seed)
    k1, k2, k3, k4 = jax.random.split(key, 4)
    tokens = jax.random.randint(k1, (BATCH, SEQ), 0, VOCAB_TOKENS, dtype=jnp.int64 if jax.config.jax_enable_x64 else jnp.int32)
    pos = jax.random.randint(k2, (BATCH, SEQ), 0, VOCAB_POS, dtype=jnp.int64 if jax.config.jax_enable_x64 else jnp.int32)
    W_tokens = _xavier_uniform(k3, (VOCAB_TOKENS, DIM_TOKENS))
    W_pos = _xavier_uniform(k4, (VOCAB_POS, DIM_POS))
    return {"tokens": tokens, "pos": pos, "W_tokens": W_tokens, "W_pos": W_pos}

def reference(tokens, pos, W_tokens, W_pos):
    # TextFieldEmbedder.forward: iterate sorted keys ('pos' < 'tokens'),
    # run each Embedding (plain embedding lookup, no scaling), concat on last dim.
    out_pos = jnp.take(W_pos, pos, axis=0)
    out_tokens = jnp.take(W_tokens, tokens, axis=0)
    return jnp.concatenate([out_pos, out_tokens], axis=-1)

if __name__ == "__main__":
    import jax
    _d = setup_inputs()
    print(jax.jit(kernel)(*tuple(_d.values())))

</pallas_src>

<mosaic_0001>
#map = affine_map<(d0, d1) -> (0, 0)>
#map1 = affine_map<(d0, d1) -> (0, 0, 0)>
module attributes {stable_mosaic.version = 14 : i64} {
  func.func @embed(%arg0: i32, %arg1: i32, %arg2: memref<50x4096xi32, #tpu.memory_space<hbm>>, %arg3: memref<50x4096xi32, #tpu.memory_space<hbm>>, %arg4: memref<100000x128xf32, #tpu.memory_space<hbm>>, %arg5: memref<1000x128xf32, #tpu.memory_space<hbm>>, %arg6: memref<50x192x4096xf32, #tpu.memory_space<hbm>>, %arg7: memref<50x128xi32, #tpu.memory_space<vmem>>, %arg8: memref<50x128xi32, #tpu.memory_space<vmem>>, %arg9: memref<256x128xf32, #tpu.memory_space<vmem>>, %arg10: memref<256x128xf32, #tpu.memory_space<vmem>>, %arg11: memref<192x128xf32, #tpu.memory_space<vmem>>, %arg12: memref<192x128xf32, #tpu.memory_space<vmem>>, %arg13: memref<!tpu.dma_semaphore, #tpu.memory_space<semaphore_mem>>, %arg14: memref<!tpu.dma_semaphore, #tpu.memory_space<semaphore_mem>>, %arg15: memref<!tpu.dma_semaphore, #tpu.memory_space<semaphore_mem>>, %arg16: memref<!tpu.dma_semaphore, #tpu.memory_space<semaphore_mem>>) attributes {dimension_semantics = [#tpu.dimension_semantics<core_parallel>, #tpu.dimension_semantics<subcore_parallel>], iteration_bounds = array<i64: 2, 16>, scalar_prefetch = 0 : i64, scratch_operands = 10 : i64, tpu.core_type = #tpu.core_type<sc_vector_subcore>, window_params = [{transform_indices = #map}, {transform_indices = #map}, {transform_indices = #map}, {transform_indices = #map}, {transform_indices = #map1}]} {
    %mul3A = arith.constant 2 : i32
    %mul3A_0 = arith.muli %arg1, %mul3A : i32
    %add3A = arith.addi %mul3A_0, %arg0 : i32
    %mul3A_1 = arith.constant 128 : i32
    %mul3A_2 = arith.muli %add3A, %mul3A_1 : i32
    "tpu.region"() ({
      %run_scoped3A = tpu.sem_alloc : memref<!tpu.dma_semaphore, #tpu.memory_space<semaphore_mem>>
      %dma_start3A = arith.constant 0 : i32
      %dma_start3A_8 = tpu.memref_slice %arg2[%dma_start3A, %mul3A_2] : memref<50x4096xi32, #tpu.memory_space<hbm>> -> memref<50x128xi32, #tpu.memory_space<hbm>>
      %dma_start3A_9 = arith.constant 0 : i32
      %dma_start3A_10 = tpu.memref_slice %arg2[%dma_start3A_9, %mul3A_2] : memref<50x4096xi32, #tpu.memory_space<hbm>> -> memref<50x128xi32, #tpu.memory_space<hbm>>
      tpu.enqueue_dma source(%dma_start3A_10 : memref<50x128xi32, #tpu.memory_space<hbm>>) target(%arg7 : memref<50x128xi32, #tpu.memory_space<vmem>>) target_semaphore(%run_scoped3A : memref<!tpu.dma_semaphore, #tpu.memory_space<semaphore_mem>>)
      %dma_wait3A = arith.constant 0 : i32
      %dma_wait3A_11 = tpu.memref_slice %arg2[%dma_wait3A, %mul3A_2] : memref<50x4096xi32, #tpu.memory_space<hbm>> -> memref<50x128xi32, #tpu.memory_space<hbm>>
      %dma_wait3A_12 = arith.constant 0 : i32
      %dma_wait3A_13 = tpu.memref_slice %arg2[%dma_wait3A_12, %mul3A_2] : memref<50x4096xi32, #tpu.memory_space<hbm>> -> memref<50x128xi32, #tpu.memory_space<hbm>>
      tpu.wait_dma2 semaphore(%run_scoped3A : memref<!tpu.dma_semaphore, #tpu.memory_space<semaphore_mem>>) src(%dma_wait3A_13 : memref<50x128xi32, #tpu.memory_space<hbm>>) dst(%arg7 : memref<50x128xi32, #tpu.memory_space<vmem>>)
      tpu.yield
    }) : () -> ()
    "tpu.region"() ({
      %run_scoped3A = tpu.sem_alloc : memref<!tpu.dma_semaphore, #tpu.memory_space<semaphore_mem>>
      %dma_start3A = arith.constant 0 : i32
      %dma_start3A_8 = tpu.memref_slice %arg3[%dma_start3A, %mul3A_2] : memref<50x4096xi32, #tpu.memory_space<hbm>> -> memref<50x128xi32, #tpu.memory_space<hbm>>
      %dma_start3A_9 = arith.constant 0 : i32
      %dma_start3A_10 = tpu.memref_slice %arg3[%dma_start3A_9, %mul3A_2] : memref<50x4096xi32, #tpu.memory_space<hbm>> -> memref<50x128xi32, #tpu.memory_space<hbm>>
      tpu.enqueue_dma source(%dma_start3A_10 : memref<50x128xi32, #tpu.memory_space<hbm>>) target(%arg8 : memref<50x128xi32, #tpu.memory_space<vmem>>) target_semaphore(%run_scoped3A : memref<!tpu.dma_semaphore, #tpu.memory_space<semaphore_mem>>)
      %dma_wait3A = arith.constant 0 : i32
      %dma_wait3A_11 = tpu.memref_slice %arg3[%dma_wait3A, %mul3A_2] : memref<50x4096xi32, #tpu.memory_space<hbm>> -> memref<50x128xi32, #tpu.memory_space<hbm>>
      %dma_wait3A_12 = arith.constant 0 : i32
      %dma_wait3A_13 = tpu.memref_slice %arg3[%dma_wait3A_12, %mul3A_2] : memref<50x4096xi32, #tpu.memory_space<hbm>> -> memref<50x128xi32, #tpu.memory_space<hbm>>
      tpu.wait_dma2 semaphore(%run_scoped3A : memref<!tpu.dma_semaphore, #tpu.memory_space<semaphore_mem>>) src(%dma_wait3A_13 : memref<50x128xi32, #tpu.memory_space<hbm>>) dst(%arg8 : memref<50x128xi32, #tpu.memory_space<vmem>>)
      tpu.yield
    }) : () -> ()
    %scan3A = arith.constant 0 : i32
    %scan3A_3 = arith.constant 0 : i32
    %scan3A_4 = arith.constant 27 : i32
    %scan3A_5 = arith.addi %scan3A_3, %scan3A_4 : i32
    %scan3A_6 = arith.constant 1 : i32
    scf.for %scan3A_8 = %scan3A_3 to %scan3A_5 step %scan3A_6  : i32 {
      %mul3A_9 = arith.constant 2 : i32
      %mul3A_10 = arith.muli %mul3A_9, %scan3A_8 : i32
      %add3A_11 = arith.constant 0 : i32
      %add3A_12 = arith.addi %mul3A_10, %add3A_11 : i32
      %ge3A = arith.constant 2 : i32
      %ge3A_13 = arith.cmpi sge, %add3A_12, %ge3A : i32
      %lt3A = arith.constant 52 : i32
      %lt3A_14 = arith.cmpi slt, %add3A_12, %lt3A : i32
      %and3A = arith.andi %ge3A_13, %lt3A_14 : i1
      %convert_element_type3A = arith.extui %and3A : i1 to i32
      %cond3A = arith.constant 0 : i32
      %cond3A_15 = arith.cmpi ne, %convert_element_type3A, %cond3A : i32
      scf.if %cond3A_15 {
        %sub3A = arith.constant 2 : i32
        %sub3A_70 = arith.subi %add3A_12, %sub3A : i32
        %dma_wait3A = arith.constant 0 : i32
        %dma_wait3A_71 = arith.constant 0 : i32
        %dma_wait3A_72 = tpu.memref_slice %arg9[%dma_wait3A, %dma_wait3A_71] : memref<256x128xf32, #tpu.memory_space<vmem>> -> memref<128x128xf32, #tpu.memory_space<vmem>>
        %dma_wait3A_73 = arith.constant 0 : i32
        %dma_wait3A_74 = tpu.memref_slice %arg8[%sub3A_70, %dma_wait3A_73] : memref<50x128xi32, #tpu.memory_space<vmem>> -> memref<1x128xi32, #tpu.memory_space<vmem>>
        %dma_wait3A_75 = tpu.memref_squeeze %dma_wait3A_74 : memref<1x128xi32, #tpu.memory_space<vmem>> -> memref<128xi32, #tpu.memory_space<vmem>>
        %dma_wait3A_76 = arith.constant 0 : i32
        %dma_wait3A_77 = arith.constant 0 : i32
        %dma_wait3A_78 = tpu.memref_slice %arg5[%dma_wait3A_76, %dma_wait3A_77] : memref<1000x128xf32, #tpu.memory_space<hbm>> -> memref<1000x128xf32, #tpu.memory_space<hbm>>
        tpu.wait_indirect_dma semaphore(%arg13 : memref<!tpu.dma_semaphore, #tpu.memory_space<semaphore_mem>>) src(%dma_wait3A_78 : memref<1000x128xf32, #tpu.memory_space<hbm>>) dst(%dma_wait3A_72 : memref<128x128xf32, #tpu.memory_space<vmem>>)
        %dma_wait3A_79 = arith.constant 128 : i32
        %dma_wait3A_80 = arith.constant 0 : i32
        %dma_wait3A_81 = tpu.memref_slice %arg9[%dma_wait3A_79, %dma_wait3A_80] : memref<256x128xf32, #tpu.memory_space<vmem>> -> memref<128x128xf32, #tpu.memory_space<vmem>>
        %dma_wait3A_82 = arith.constant 0 : i32
        %dma_wait3A_83 = tpu.memref_slice %arg7[%sub3A_70, %dma_wait3A_82] : memref<50x128xi32, #tpu.memory_space<vmem>> -> memref<1x128xi32, #tpu.memory_space<vmem>>
        %dma_wait3A_84 = tpu.memref_squeeze %dma_wait3A_83 : memref<1x128xi32, #tpu.memory_space<vmem>> -> memref<128xi32, #tpu.memory_space<vmem>>
        %dma_wait3A_85 = arith.constant 0 : i32
        %dma_wait3A_86 = arith.constant 0 : i32
        %dma_wait3A_87 = tpu.memref_slice %arg4[%dma_wait3A_85, %dma_wait3A_86] : memref<100000x128xf32, #tpu.memory_space<hbm>> -> memref<100000x128xf32, #tpu.memory_space<hbm>>
        tpu.wait_indirect_dma semaphore(%arg13 : memref<!tpu.dma_semaphore, #tpu.memory_space<semaphore_mem>>) src(%dma_wait3A_87 : memref<100000x128xf32, #tpu.memory_space<hbm>>) dst(%dma_wait3A_81 : memref<128x128xf32, #tpu.memory_space<vmem>>)
      } else {
      }
      %ge3A_16 = arith.constant 4 : i32
      %ge3A_17 = arith.cmpi sge, %add3A_12, %ge3A_16 : i32
      %lt3A_18 = arith.constant 54 : i32
      %lt3A_19 = arith.cmpi slt, %add3A_12, %lt3A_18 : i32
      %and3A_20 = arith.andi %ge3A_17, %lt3A_19 : i1
      %convert_element_type3A_21 = arith.extui %and3A_20 : i1 to i32
      %cond3A_22 = arith.constant 0 : i32
      %cond3A_23 = arith.cmpi ne, %convert_element_type3A_21, %cond3A_22 : i32
      scf.if %cond3A_23 {
        %dma_wait3A = arith.constant 0 : i32
        %dma_wait3A_70 = arith.constant 0 : i32
        %dma_wait3A_71 = tpu.memref_slice %arg6[%dma_wait3A, %dma_wait3A_70, %mul3A_2] : memref<50x192x4096xf32, #tpu.memory_space<hbm>> -> memref<1x192x128xf32, #tpu.memory_space<hbm>>
        %dma_wait3A_72 = tpu.memref_squeeze %dma_wait3A_71 : memref<1x192x128xf32, #tpu.memory_space<hbm>> -> memref<192x128xf32, #tpu.memory_space<hbm>>
        %dma_wait3A_73 = arith.constant 0 : i32
        %dma_wait3A_74 = tpu.memref_slice %arg6[%dma_wait3A, %dma_wait3A_73, %mul3A_2] : memref<50x192x4096xf32, #tpu.memory_space<hbm>> -> memref<1x192x128xf32, #tpu.memory_space<hbm>>
        %dma_wait3A_75 = tpu.memref_squeeze %dma_wait3A_74 : memref<1x192x128xf32, #tpu.memory_space<hbm>> -> memref<192x128xf32, #tpu.memory_space<hbm>>
        tpu.wait_dma2 semaphore(%arg15 : memref<!tpu.dma_semaphore, #tpu.memory_space<semaphore_mem>>) src(%arg11 : memref<192x128xf32, #tpu.memory_space<vmem>>) dst(%dma_wait3A_75 : memref<192x128xf32, #tpu.memory_space<hbm>>)
      } else {
      }
      %ge3A_24 = arith.constant 2 : i32
      %ge3A_25 = arith.cmpi sge, %add3A_12, %ge3A_24 : i32
      %lt3A_26 = arith.constant 52 : i32
      %lt3A_27 = arith.cmpi slt, %add3A_12, %lt3A_26 : i32
      %and3A_28 = arith.andi %ge3A_25, %lt3A_27 : i1
      %convert_element_type3A_29 = arith.extui %and3A_28 : i1 to i32
      %cond3A_30 = arith.constant 0 : i32
      %cond3A_31 = arith.cmpi ne, %convert_element_type3A_29, %cond3A_30 : i32
      scf.if %cond3A_31 {
        %iota3A = tpu.iota {dimensions = array<i32: 0>} : vector<16xi32>
        %add3A_70 = arith.constant 0 : i32
        %add3A_71 = vector.broadcast %add3A_70 : i32 to vector<16xi32>
        %add3A_72 = arith.addi %iota3A, %add3A_71 : vector<16xi32>
        %add3A_73 = arith.constant 16 : i32
        %add3A_74 = vector.broadcast %add3A_73 : i32 to vector<16xi32>
        %add3A_75 = arith.addi %iota3A, %add3A_74 : vector<16xi32>
        %add3A_76 = arith.constant 32 : i32
        %add3A_77 = vector.broadcast %add3A_76 : i32 to vector<16xi32>
        %add3A_78 = arith.addi %iota3A, %add3A_77 : vector<16xi32>
        %add3A_79 = arith.constant 48 : i32
        %add3A_80 = vector.broadcast %add3A_79 : i32 to vector<16xi32>
        %add3A_81 = arith.addi %iota3A, %add3A_80 : vector<16xi32>
        %add3A_82 = arith.constant 64 : i32
        %add3A_83 = vector.broadcast %add3A_82 : i32 to vector<16xi32>
        %add3A_84 = arith.addi %iota3A, %add3A_83 : vector<16xi32>
        %add3A_85 = arith.constant 0 : i32
        %add3A_86 = vector.broadcast %add3A_85 : i32 to vector<16xi32>
        %add3A_87 = arith.addi %add3A_84, %add3A_86 : vector<16xi32>
        %add3A_88 = arith.constant 64 : i32
        %add3A_89 = vector.broadcast %add3A_88 : i32 to vector<16xi32>
        %add3A_90 = arith.addi %iota3A, %add3A_89 : vector<16xi32>
        %add3A_91 = arith.constant 16 : i32
        %add3A_92 = vector.broadcast %add3A_91 : i32 to vector<16xi32>
        %add3A_93 = arith.addi %add3A_90, %add3A_92 : vector<16xi32>
        %add3A_94 = arith.constant 64 : i32
        %add3A_95 = vector.broadcast %add3A_94 : i32 to vector<16xi32>
        %add3A_96 = arith.addi %iota3A, %add3A_95 : vector<16xi32>
        %add3A_97 = arith.constant 32 : i32
        %add3A_98 = vector.broadcast %add3A_97 : i32 to vector<16xi32>
        %add3A_99 = arith.addi %add3A_96, %add3A_98 : vector<16xi32>
        %add3A_100 = arith.constant 64 : i32
        %add3A_101 = vector.broadcast %add3A_100 : i32 to vector<16xi32>
        %add3A_102 = arith.addi %iota3A, %add3A_101 : vector<16xi32>
        %add3A_103 = arith.constant 48 : i32
        %add3A_104 = vector.broadcast %add3A_103 : i32 to vector<16xi32>
        %add3A_105 = arith.addi %add3A_102, %add3A_104 : vector<16xi32>
        %add3A_106 = arith.constant 64 : i32
        %add3A_107 = vector.broadcast %add3A_106 : i32 to vector<16xi32>
        %add3A_108 = arith.addi %iota3A, %add3A_107 : vector<16xi32>
        %add3A_109 = arith.constant 64 : i32
        %add3A_110 = vector.broadcast %add3A_109 : i32 to vector<16xi32>
        %add3A_111 = arith.addi %add3A_108, %add3A_110 : vector<16xi32>
        %add3A_112 = arith.constant 64 : i32
        %add3A_113 = vector.broadcast %add3A_112 : i32 to vector<16xi32>
        %add3A_114 = arith.addi %iota3A, %add3A_113 : vector<16xi32>
        %add3A_115 = arith.constant 80 : i32
        %add3A_116 = vector.broadcast %add3A_115 : i32 to vector<16xi32>
        %add3A_117 = arith.addi %add3A_114, %add3A_116 : vector<16xi32>
        %add3A_118 = arith.constant 64 : i32
        %add3A_119 = vector.broadcast %add3A_118 : i32 to vector<16xi32>
        %add3A_120 = arith.addi %iota3A, %add3A_119 : vector<16xi32>
        %add3A_121 = arith.constant 96 : i32
        %add3A_122 = vector.broadcast %add3A_121 : i32 to vector<16xi32>
        %add3A_123 = arith.addi %add3A_120, %add3A_122 : vector<16xi32>
        %add3A_124 = arith.constant 64 : i32
        %add3A_125 = vector.broadcast %add3A_124 : i32 to vector<16xi32>
        %add3A_126 = arith.addi %iota3A, %add3A_125 : vector<16xi32>
        %add3A_127 = arith.constant 112 : i32
        %add3A_128 = vector.broadcast %add3A_127 : i32 to vector<16xi32>
        %add3A_129 = arith.addi %add3A_126, %add3A_128 : vector<16xi32>
        %scan3A_130 = arith.constant 0 : i32
        %scan3A_131 = arith.constant 0 : i32
        %scan3A_132 = arith.constant 64 : i32
        %scan3A_133 = arith.addi %scan3A_131, %scan3A_132 : i32
        %scan3A_134 = arith.constant 1 : i32
        scf.for %scan3A_142 = %scan3A_131 to %scan3A_133 step %scan3A_134  : i32 {
          %mul3A_143 = arith.constant 2 : i32
          %mul3A_144 = arith.muli %scan3A_142, %mul3A_143 : i32
          %add3A_145 = arith.constant 0 : i32
          %add3A_146 = arith.addi %mul3A_144, %add3A_145 : i32
          %broadcast_in_dim3A = vector.broadcast %add3A_146 : i32 to vector<16xi32>
          %get3A = arith.index_cast %add3A_146 : i32 to index
          %get3A_147 = arith.constant 0 : index
          %get3A_148 = tpu.vector_load %arg9[%get3A, %get3A_147] {strides = array<i32>} : memref<256x128xf32, #tpu.memory_space<vmem>>, vector<16xf32>,
          tpu.vector_store_idx %arg11[%add3A_72, %broadcast_in_dim3A], %get3A_148 : memref<192x128xf32, #tpu.memory_space<vmem>>[vector<16xi32>, vector<16xi32>], vector<16xf32>,
          %get3A_149 = arith.index_cast %add3A_146 : i32 to index
          %get3A_150 = arith.constant 16 : index
          %get3A_151 = tpu.vector_load %arg9[%get3A_149, %get3A_150] {strides = array<i32>} : memref<256x128xf32, #tpu.memory_space<vmem>>, vector<16xf32>,
          tpu.vector_store_idx %arg11[%add3A_75, %broadcast_in_dim3A], %get3A_151 : memref<192x128xf32, #tpu.memory_space<vmem>>[vector<16xi32>, vector<16xi32>], vector<16xf32>,
          %get3A_152 = arith.index_cast %add3A_146 : i32 to index
          %get3A_153 = arith.constant 32 : index
          %get3A_154 = tpu.vector_load %arg9[%get3A_152, %get3A_153] {strides = array<i32>} : memref<256x128xf32, #tpu.memory_space<vmem>>, vector<16xf32>,
          tpu.vector_store_idx %arg11[%add3A_78, %broadcast_in_dim3A], %get3A_154 : memref<192x128xf32, #tpu.memory_space<vmem>>[vector<16xi32>, vector<16xi32>], vector<16xf32>,
          %get3A_155 = arith.index_cast %add3A_146 : i32 to index
          %get3A_156 = arith.constant 48 : index
          %get3A_157 = tpu.vector_load %arg9[%get3A_155, %get3A_156] {strides = array<i32>} : memref<256x128xf32, #tpu.memory_space<vmem>>, vector<16xf32>,
          tpu.vector_store_idx %arg11[%add3A_81, %broadcast_in_dim3A], %get3A_157 : memref<192x128xf32, #tpu.memory_space<vmem>>[vector<16xi32>, vector<16xi32>], vector<16xf32>,
          %add3A_158 = arith.constant 128 : i32
          %add3A_159 = arith.addi %add3A_158, %add3A_146 : i32
          %get3A_160 = arith.index_cast %add3A_159 : i32 to index
          %get3A_161 = arith.constant 0 : index
          %get3A_162 = tpu.vector_load %arg9[%get3A_160, %get3A_161] {strides = array<i32>} : memref<256x128xf32, #tpu.memory_space<vmem>>, vector<16xf32>,
          tpu.vector_store_idx %arg11[%add3A_87, %broadcast_in_dim3A], %get3A_162 : memref<192x128xf32, #tpu.memory_space<vmem>>[vector<16xi32>, vector<16xi32>], vector<16xf32>,
          %add3A_163 = arith.constant 128 : i32
          %add3A_164 = arith.addi %add3A_163, %add3A_146 : i32
          %get3A_165 = arith.index_cast %add3A_164 : i32 to index
          %get3A_166 = arith.constant 16 : index
          %get3A_167 = tpu.vector_load %arg9[%get3A_165, %get3A_166] {strides = array<i32>} : memref<256x128xf32, #tpu.memory_space<vmem>>, vector<16xf32>,
          tpu.vector_store_idx %arg11[%add3A_93, %broadcast_in_dim3A], %get3A_167 : memref<192x128xf32, #tpu.memory_space<vmem>>[vector<16xi32>, vector<16xi32>], vector<16xf32>,
          %add3A_168 = arith.constant 128 : i32
          %add3A_169 = arith.addi %add3A_168, %add3A_146 : i32
          %get3A_170 = arith.index_cast %add3A_169 : i32 to index
          %get3A_171 = arith.constant 32 : index
          %get3A_172 = tpu.vector_load %arg9[%get3A_170, %get3A_171] {strides = array<i32>} : memref<256x128xf32, #tpu.memory_space<vmem>>, vector<16xf32>,
          tpu.vector_store_idx %arg11[%add3A_99, %broadcast_in_dim3A], %get3A_172 : memref<192x128xf32, #tpu.memory_space<vmem>>[vector<16xi32>, vector<16xi32>], vector<16xf32>,
          %add3A_173 = arith.constant 128 : i32
          %add3A_174 = arith.addi %add3A_173, %add3A_146 : i32
          %get3A_175 = arith.index_cast %add3A_174 : i32 to index
          %get3A_176 = arith.constant 48 : index
          %get3A_177 = tpu.vector_load %arg9[%get3A_175, %get3A_176] {strides = array<i32>} : memref<256x128xf32, #tpu.memory_space<vmem>>, vector<16xf32>,
          tpu.vector_store_idx %arg11[%add3A_105, %broadcast_in_dim3A], %get3A_177 : memref<192x128xf32, #tpu.memory_space<vmem>>[vector<16xi32>, vector<16xi32>], vector<16xf32>,
          %add3A_178 = arith.constant 128 : i32
          %add3A_179 = arith.addi %add3A_178, %add3A_146 : i32
          %get3A_180 = arith.index_cast %add3A_179 : i32 to index
          %get3A_181 = arith.constant 64 : index
          %get3A_182 = tpu.vector_load %arg9[%get3A_180, %get3A_181] {strides = array<i32>} : memref<256x128xf32, #tpu.memory_space<vmem>>, vector<16xf32>,
          tpu.vector_store_idx %arg11[%add3A_111, %broadcast_in_dim3A], %get3A_182 : memref<192x128xf32, #tpu.memory_space<vmem>>[vector<16xi32>, vector<16xi32>], vector<16xf32>,
          %add3A_183 = arith.constant 128 : i32
          %add3A_184 = arith.addi %add3A_183, %add3A_146 : i32
          %get3A_185 = arith.index_cast %add3A_184 : i32 to index
          %get3A_186 = arith.constant 80 : index
          %get3A_187 = tpu.vector_load %arg9[%get3A_185, %get3A_186] {strides = array<i32>} : memref<256x128xf32, #tpu.memory_space<vmem>>, vector<16xf32>,
          tpu.vector_store_idx %arg11[%add3A_117, %broadcast_in_dim3A], %get3A_187 : memref<192x128xf32, #tpu.memory_space<vmem>>[vector<16xi32>, vector<16xi32>], vector<16xf32>,
          %add3A_188 = arith.constant 128 : i32
          %add3A_189 = arith.addi %add3A_188, %add3A_146 : i32
          %get3A_190 = arith.index_cast %add3A_189 : i32 to index
          %get3A_191 = arith.constant 96 : index
          %get3A_192 = tpu.vector_load %arg9[%get3A_190, %get3A_191] {strides = array<i32>} : memref<256x128xf32, #tpu.memory_space<vmem>>, vector<16xf32>,
          tpu.vector_store_idx %arg11[%add3A_123, %broadcast_in_dim3A], %get3A_192 : memref<192x128xf32, #tpu.memory_space<vmem>>[vector<16xi32>, vector<16xi32>], vector<16xf32>,
          %add3A_193 = arith.constant 128 : i32
          %add3A_194 = arith.addi %add3A_193, %add3A_146 : i32
          %get3A_195 = arith.index_cast %add3A_194 : i32 to index
          %get3A_196 = arith.constant 112 : index
          %get3A_197 = tpu.vector_load %arg9[%get3A_195, %get3A_196] {strides = array<i32>} : memref<256x128xf32, #tpu.memory_space<vmem>>, vector<16xf32>,
          tpu.vector_store_idx %arg11[%add3A_129, %broadcast_in_dim3A], %get3A_197 : memref<192x128xf32, #tpu.memory_space<vmem>>[vector<16xi32>, vector<16xi32>], vector<16xf32>,
          %mul3A_198 = arith.constant 2 : i32
          %mul3A_199 = arith.muli %scan3A_142, %mul3A_198 : i32
          %add3A_200 = arith.constant 1 : i32
          %add3A_201 = arith.addi %mul3A_199, %add3A_200 : i32
          %broadcast_in_dim3A_202 = vector.broadcast %add3A_201 : i32 to vector<16xi32>
          %get3A_203 = arith.index_cast %add3A_201 : i32 to index
          %get3A_204 = arith.constant 0 : index
          %get3A_205 = tpu.vector_load %arg9[%get3A_203, %get3A_204] {strides = array<i32>} : memref<256x128xf32, #tpu.memory_space<vmem>>, vector<16xf32>,
          tpu.vector_store_idx %arg11[%add3A_72, %broadcast_in_dim3A_202], %get3A_205 : memref<192x128xf32, #tpu.memory_space<vmem>>[vector<16xi32>, vector<16xi32>], vector<16xf32>,
          %get3A_206 = arith.index_cast %add3A_201 : i32 to index
          %get3A_207 = arith.constant 16 : index
          %get3A_208 = tpu.vector_load %arg9[%get3A_206, %get3A_207] {strides = array<i32>} : memref<256x128xf32, #tpu.memory_space<vmem>>, vector<16xf32>,
          tpu.vector_store_idx %arg11[%add3A_75, %broadcast_in_dim3A_202], %get3A_208 : memref<192x128xf32, #tpu.memory_space<vmem>>[vector<16xi32>, vector<16xi32>], vector<16xf32>,
          %get3A_209 = arith.index_cast %add3A_201 : i32 to index
          %get3A_210 = arith.constant 32 : index
          %get3A_211 = tpu.vector_load %arg9[%get3A_209, %get3A_210] {strides = array<i32>} : memref<256x128xf32, #tpu.memory_space<vmem>>, vector<16xf32>,
          tpu.vector_store_idx %arg11[%add3A_78, %broadcast_in_dim3A_202], %get3A_211 : memref<192x128xf32, #tpu.memory_space<vmem>>[vector<16xi32>, vector<16xi32>], vector<16xf32>,
          %get3A_212 = arith.index_cast %add3A_201 : i32 to index
          %get3A_213 = arith.constant 48 : index
          %get3A_214 = tpu.vector_load %arg9[%get3A_212, %get3A_213] {strides = array<i32>} : memref<256x128xf32, #tpu.memory_space<vmem>>, vector<16xf32>,
          tpu.vector_store_idx %arg11[%add3A_81, %broadcast_in_dim3A_202], %get3A_214 : memref<192x128xf32, #tpu.memory_space<vmem>>[vector<16xi32>, vector<16xi32>], vector<16xf32>,
          %add3A_215 = arith.constant 128 : i32
          %add3A_216 = arith.addi %add3A_215, %add3A_201 : i32
          %get3A_217 = arith.index_cast %add3A_216 : i32 to index
          %get3A_218 = arith.constant 0 : index
          %get3A_219 = tpu.vector_load %arg9[%get3A_217, %get3A_218] {strides = array<i32>} : memref<256x128xf32, #tpu.memory_space<vmem>>, vector<16xf32>,
          tpu.vector_store_idx %arg11[%add3A_87, %broadcast_in_dim3A_202], %get3A_219 : memref<192x128xf32, #tpu.memory_space<vmem>>[vector<16xi32>, vector<16xi32>], vector<16xf32>,
          %add3A_220 = arith.constant 128 : i32
          %add3A_221 = arith.addi %add3A_220, %add3A_201 : i32
          %get3A_222 = arith.index_cast %add3A_221 : i32 to index
          %get3A_223 = arith.constant 16 : index
          %get3A_224 = tpu.vector_load %arg9[%get3A_222, %get3A_223] {strides = array<i32>} : memref<256x128xf32, #tpu.memory_space<vmem>>, vector<16xf32>,
          tpu.vector_store_idx %arg11[%add3A_93, %broadcast_in_dim3A_202], %get3A_224 : memref<192x128xf32, #tpu.memory_space<vmem>>[vector<16xi32>, vector<16xi32>], vector<16xf32>,
          %add3A_225 = arith.constant 128 : i32
          %add3A_226 = arith.addi %add3A_225, %add3A_201 : i32
          %get3A_227 = arith.index_cast %add3A_226 : i32 to index
          %get3A_228 = arith.constant 32 : index
          %get3A_229 = tpu.vector_load %arg9[%get3A_227, %get3A_228] {strides = array<i32>} : memref<256x128xf32, #tpu.memory_space<vmem>>, vector<16xf32>,
          tpu.vector_store_idx %arg11[%add3A_99, %broadcast_in_dim3A_202], %get3A_229 : memref<192x128xf32, #tpu.memory_space<vmem>>[vector<16xi32>, vector<16xi32>], vector<16xf32>,
          %add3A_230 = arith.constant 128 : i32
          %add3A_231 = arith.addi %add3A_230, %add3A_201 : i32
          %get3A_232 = arith.index_cast %add3A_231 : i32 to index
          %get3A_233 = arith.constant 48 : index
          %get3A_234 = tpu.vector_load %arg9[%get3A_232, %get3A_233] {strides = array<i32>} : memref<256x128xf32, #tpu.memory_space<vmem>>, vector<16xf32>,
          tpu.vector_store_idx %arg11[%add3A_105, %broadcast_in_dim3A_202], %get3A_234 : memref<192x128xf32, #tpu.memory_space<vmem>>[vector<16xi32>, vector<16xi32>], vector<16xf32>,
          %add3A_235 = arith.constant 128 : i32
          %add3A_236 = arith.addi %add3A_235, %add3A_201 : i32
          %get3A_237 = arith.index_cast %add3A_236 : i32 to index
          %get3A_238 = arith.constant 64 : index
          %get3A_239 = tpu.vector_load %arg9[%get3A_237, %get3A_238] {strides = array<i32>} : memref<256x128xf32, #tpu.memory_space<vmem>>, vector<16xf32>,
          tpu.vector_store_idx %arg11[%add3A_111, %broadcast_in_dim3A_202], %get3A_239 : memref<192x128xf32, #tpu.memory_space<vmem>>[vector<16xi32>, vector<16xi32>], vector<16xf32>,
          %add3A_240 = arith.constant 128 : i32
          %add3A_241 = arith.addi %add3A_240, %add3A_201 : i32
          %get3A_242 = arith.index_cast %add3A_241 : i32 to index
          %get3A_243 = arith.constant 80 : index
          %get3A_244 = tpu.vector_load %arg9[%get3A_242, %get3A_243] {strides = array<i32>} : memref<256x128xf32, #tpu.memory_space<vmem>>, vector<16xf32>,
          tpu.vector_store_idx %arg11[%add3A_117, %broadcast_in_dim3A_202], %get3A_244 : memref<192x128xf32, #tpu.memory_space<vmem>>[vector<16xi32>, vector<16xi32>], vector<16xf32>,
          %add3A_245 = arith.constant 128 : i32
          %add3A_246 = arith.addi %add3A_245, %add3A_201 : i32
          %get3A_247 = arith.index_cast %add3A_246 : i32 to index
          %get3A_248 = arith.constant 96 : index
          %get3A_249 = tpu.vector_load %arg9[%get3A_247, %get3A_248] {strides = array<i32>} : memref<256x128xf32, #tpu.memory_space<vmem>>, vector<16xf32>,
          tpu.vector_store_idx %arg11[%add3A_123, %broadcast_in_dim3A_202], %get3A_249 : memref<192x128xf32, #tpu.memory_space<vmem>>[vector<16xi32>, vector<16xi32>], vector<16xf32>,
          %add3A_250 = arith.constant 128 : i32
          %add3A_251 = arith.addi %add3A_250, %add3A_201 : i32
          %get3A_252 = arith.index_cast %add3A_251 : i32 to index
          %get3A_253 = arith.constant 112 : index
          %get3A_254 = tpu.vector_load %arg9[%get3A_252, %get3A_253] {strides = array<i32>} : memref<256x128xf32, #tpu.memory_space<vmem>>, vector<16xf32>,
          tpu.vector_store_idx %arg11[%add3A_129, %broadcast_in_dim3A_202], %get3A_254 : memref<192x128xf32, #tpu.memory_space<vmem>>[vector<16xi32>, vector<16xi32>], vector<16xf32>,
        }
        %scan3A_135 = arith.constant 64 : i32
        %sub3A = arith.constant 2 : i32
        %sub3A_136 = arith.subi %add3A_12, %sub3A : i32
        %dma_start3A = arith.constant 0 : i32
        %dma_start3A_137 = tpu.memref_slice %arg6[%sub3A_136, %dma_start3A, %mul3A_2] : memref<50x192x4096xf32, #tpu.memory_space<hbm>> -> memref<1x192x128xf32, #tpu.memory_space<hbm>>
        %dma_start3A_138 = tpu.memref_squeeze %dma_start3A_137 : memref<1x192x128xf32, #tpu.memory_space<hbm>> -> memref<192x128xf32, #tpu.memory_space<hbm>>
        %dma_start3A_139 = arith.constant 0 : i32
        %dma_start3A_140 = tpu.memref_slice %arg6[%sub3A_136, %dma_start3A_139, %mul3A_2] : memref<50x192x4096xf32, #tpu.memory_space<hbm>> -> memref<1x192x128xf32, #tpu.memory_space<hbm>>
        %dma_start3A_141 = tpu.memref_squeeze %dma_start3A_140 : memref<1x192x128xf32, #tpu.memory_space<hbm>> -> memref<192x128xf32, #tpu.memory_space<hbm>>
        tpu.enqueue_dma source(%arg11 : memref<192x128xf32, #tpu.memory_space<vmem>>) target(%dma_start3A_141 : memref<192x128xf32, #tpu.memory_space<hbm>>) target_semaphore(%arg15 : memref<!tpu.dma_semaphore, #tpu.memory_space<semaphore_mem>>)
      } else {
      }
      %lt3A_32 = arith.constant 50 : i32
      %lt3A_33 = arith.cmpi slt, %add3A_12, %lt3A_32 : i32
      %convert_element_type3A_34 = arith.extui %lt3A_33 : i1 to i32
      %cond3A_35 = arith.constant 0 : i32
      %cond3A_36 = arith.cmpi ne, %convert_element_type3A_34, %cond3A_35 : i32
      scf.if %cond3A_36 {
        %dma_start3A = arith.constant 0 : i32
        %dma_start3A_70 = arith.constant 0 : i32
        %dma_start3A_71 = tpu.memref_slice %arg9[%dma_start3A, %dma_start3A_70] : memref<256x128xf32, #tpu.memory_space<vmem>> -> memref<128x128xf32, #tpu.memory_space<vmem>>
        %dma_start3A_72 = arith.constant 0 : i32
        %dma_start3A_73 = tpu.memref_slice %arg8[%add3A_12, %dma_start3A_72] : memref<50x128xi32, #tpu.memory_space<vmem>> -> memref<1x128xi32, #tpu.memory_space<vmem>>
        %dma_start3A_74 = tpu.memref_squeeze %dma_start3A_73 : memref<1x128xi32, #tpu.memory_space<vmem>> -> memref<128xi32, #tpu.memory_space<vmem>>
        %dma_start3A_75 = arith.constant 0 : i32
        %dma_start3A_76 = arith.constant 0 : i32
        %dma_start3A_77 = tpu.memref_slice %arg5[%dma_start3A_75, %dma_start3A_76] : memref<1000x128xf32, #tpu.memory_space<hbm>> -> memref<1000x128xf32, #tpu.memory_space<hbm>>
        tpu.enqueue_indirect_dma source(%dma_start3A_77 : memref<1000x128xf32, #tpu.memory_space<hbm>>) target(%dma_start3A_71 : memref<128x128xf32, #tpu.memory_space<vmem>>) offsets(%dma_start3A_74 : memref<128xi32, #tpu.memory_space<vmem>>) semaphore(%arg13 : memref<!tpu.dma_semaphore, #tpu.memory_space<semaphore_mem>>)
        %dma_start3A_78 = arith.constant 128 : i32
        %dma_start3A_79 = arith.constant 0 : i32
        %dma_start3A_80 = tpu.memref_slice %arg9[%dma_start3A_78, %dma_start3A_79] : memref<256x128xf32, #tpu.memory_space<vmem>> -> memref<128x128xf32, #tpu.memory_space<vmem>>
        %dma_start3A_81 = arith.constant 0 : i32
        %dma_start3A_82 = tpu.memref_slice %arg7[%add3A_12, %dma_start3A_81] : memref<50x128xi32, #tpu.memory_space<vmem>> -> memref<1x128xi32, #tpu.memory_space<vmem>>
        %dma_start3A_83 = tpu.memref_squeeze %dma_start3A_82 : memref<1x128xi32, #tpu.memory_space<vmem>> -> memref<128xi32, #tpu.memory_space<vmem>>
        %dma_start3A_84 = arith.constant 0 : i32
        %dma_start3A_85 = arith.constant 0 : i32
        %dma_start3A_86 = tpu.memref_slice %arg4[%dma_start3A_84, %dma_start3A_85] : memref<100000x128xf32, #tpu.memory_space<hbm>> -> memref<100000x128xf32, #tpu.memory_space<hbm>>
        tpu.enqueue_indirect_dma source(%dma_start3A_86 : memref<100000x128xf32, #tpu.memory_space<hbm>>) target(%dma_start3A_80 : memref<128x128xf32, #tpu.memory_space<vmem>>) offsets(%dma_start3A_83 : memref<128xi32, #tpu.memory_space<vmem>>) semaphore(%arg13 : memref<!tpu.dma_semaphore, #tpu.memory_space<semaphore_mem>>)
      } else {
      }
      %mul3A_37 = arith.constant 2 : i32
      %mul3A_38 = arith.muli %mul3A_37, %scan3A_8 : i32
      %add3A_39 = arith.constant 1 : i32
      %add3A_40 = arith.addi %mul3A_38, %add3A_39 : i32
      %ge3A_41 = arith.constant 2 : i32
      %ge3A_42 = arith.cmpi sge, %add3A_40, %ge3A_41 : i32
      %lt3A_43 = arith.constant 52 : i32
      %lt3A_44 = arith.cmpi slt, %add3A_40, %lt3A_43 : i32
      %and3A_45 = arith.andi %ge3A_42, %lt3A_44 : i1
      %convert_element_type3A_46 = arith.extui %and3A_45 : i1 to i32
      %cond3A_47 = arith.constant 0 : i32
      %cond3A_48 = arith.cmpi ne, %convert_element_type3A_46, %cond3A_47 : i32
      scf.if %cond3A_48 {
        %sub3A = arith.constant 2 : i32
        %sub3A_70 = arith.subi %add3A_40, %sub3A : i32
        %dma_wait3A = arith.constant 0 : i32
        %dma_wait3A_71 = arith.constant 0 : i32
        %dma_wait3A_72 = tpu.memref_slice %arg10[%dma_wait3A, %dma_wait3A_71] : memref<256x128xf32, #tpu.memory_space<vmem>> -> memref<128x128xf32, #tpu.memory_space<vmem>>
        %dma_wait3A_73 = arith.constant 0 : i32
        %dma_wait3A_74 = tpu.memref_slice %arg8[%sub3A_70, %dma_wait3A_73] : memref<50x128xi32, #tpu.memory_space<vmem>> -> memref<1x128xi32, #tpu.memory_space<vmem>>
        %dma_wait3A_75 = tpu.memref_squeeze %dma_wait3A_74 : memref<1x128xi32, #tpu.memory_space<vmem>> -> memref<128xi32, #tpu.memory_space<vmem>>
        %dma_wait3A_76 = arith.constant 0 : i32
        %dma_wait3A_77 = arith.constant 0 : i32
        %dma_wait3A_78 = tpu.memref_slice %arg5[%dma_wait3A_76, %dma_wait3A_77] : memref<1000x128xf32, #tpu.memory_space<hbm>> -> memref<1000x128xf32, #tpu.memory_space<hbm>>
        tpu.wait_indirect_dma semaphore(%arg14 : memref<!tpu.dma_semaphore, #tpu.memory_space<semaphore_mem>>) src(%dma_wait3A_78 : memref<1000x128xf32, #tpu.memory_space<hbm>>) dst(%dma_wait3A_72 : memref<128x128xf32, #tpu.memory_space<vmem>>)
        %dma_wait3A_79 = arith.constant 128 : i32
        %dma_wait3A_80 = arith.constant 0 : i32
        %dma_wait3A_81 = tpu.memref_slice %arg10[%dma_wait3A_79, %dma_wait3A_80] : memref<256x128xf32, #tpu.memory_space<vmem>> -> memref<128x128xf32, #tpu.memory_space<vmem>>
        %dma_wait3A_82 = arith.constant 0 : i32
        %dma_wait3A_83 = tpu.memref_slice %arg7[%sub3A_70, %dma_wait3A_82] : memref<50x128xi32, #tpu.memory_space<vmem>> -> memref<1x128xi32, #tpu.memory_space<vmem>>
        %dma_wait3A_84 = tpu.memref_squeeze %dma_wait3A_83 : memref<1x128xi32, #tpu.memory_space<vmem>> -> memref<128xi32, #tpu.memory_space<vmem>>
        %dma_wait3A_85 = arith.constant 0 : i32
        %dma_wait3A_86 = arith.constant 0 : i32
        %dma_wait3A_87 = tpu.memref_slice %arg4[%dma_wait3A_85, %dma_wait3A_86] : memref<100000x128xf32, #tpu.memory_space<hbm>> -> memref<100000x128xf32, #tpu.memory_space<hbm>>
        tpu.wait_indirect_dma semaphore(%arg14 : memref<!tpu.dma_semaphore, #tpu.memory_space<semaphore_mem>>) src(%dma_wait3A_87 : memref<100000x128xf32, #tpu.memory_space<hbm>>) dst(%dma_wait3A_81 : memref<128x128xf32, #tpu.memory_space<vmem>>)
      } else {
      }
      %ge3A_49 = arith.constant 4 : i32
      %ge3A_50 = arith.cmpi sge, %add3A_40, %ge3A_49 : i32
      %lt3A_51 = arith.constant 54 : i32
      %lt3A_52 = arith.cmpi slt, %add3A_40, %lt3A_51 : i32
      %and3A_53 = arith.andi %ge3A_50, %lt3A_52 : i1
      %convert_element_type3A_54 = arith.extui %and3A_53 : i1 to i32
      %cond3A_55 = arith.constant 0 : i32
      %cond3A_56 = arith.cmpi ne, %convert_element_type3A_54, %cond3A_55 : i32
      scf.if %cond3A_56 {
        %dma_wait3A = arith.constant 0 : i32
        %dma_wait3A_70 = arith.constant 0 : i32
        %dma_wait3A_71 = tpu.memref_slice %arg6[%dma_wait3A, %dma_wait3A_70, %mul3A_2] : memref<50x192x4096xf32, #tpu.memory_space<hbm>> -> memref<1x192x128xf32, #tpu.memory_space<hbm>>
        %dma_wait3A_72 = tpu.memref_squeeze %dma_wait3A_71 : memref<1x192x128xf32, #tpu.memory_space<hbm>> -> memref<192x128xf32, #tpu.memory_space<hbm>>
        %dma_wait3A_73 = arith.constant 0 : i32
        %dma_wait3A_74 = tpu.memref_slice %arg6[%dma_wait3A, %dma_wait3A_73, %mul3A_2] : memref<50x192x4096xf32, #tpu.memory_space<hbm>> -> memref<1x192x128xf32, #tpu.memory_space<hbm>>
        %dma_wait3A_75 = tpu.memref_squeeze %dma_wait3A_74 : memref<1x192x128xf32, #tpu.memory_space<hbm>> -> memref<192x128xf32, #tpu.memory_space<hbm>>
        tpu.wait_dma2 semaphore(%arg16 : memref<!tpu.dma_semaphore, #tpu.memory_space<semaphore_mem>>) src(%arg12 : memref<192x128xf32, #tpu.memory_space<vmem>>) dst(%dma_wait3A_75 : memref<192x128xf32, #tpu.memory_space<hbm>>)
      } else {
      }
      %ge3A_57 = arith.constant 2 : i32
      %ge3A_58 = arith.cmpi sge, %add3A_40, %ge3A_57 : i32
      %lt3A_59 = arith.constant 52 : i32
      %lt3A_60 = arith.cmpi slt, %add3A_40, %lt3A_59 : i32
      %and3A_61 = arith.andi %ge3A_58, %lt3A_60 : i1
      %convert_element_type3A_62 = arith.extui %and3A_61 : i1 to i32
      %cond3A_63 = arith.constant 0 : i32
      %cond3A_64 = arith.cmpi ne, %convert_element_type3A_62, %cond3A_63 : i32
      scf.if %cond3A_64 {
        %iota3A = tpu.iota {dimensions = array<i32: 0>} : vector<16xi32>
        %add3A_70 = arith.constant 0 : i32
        %add3A_71 = vector.broadcast %add3A_70 : i32 to vector<16xi32>
        %add3A_72 = arith.addi %iota3A, %add3A_71 : vector<16xi32>
        %add3A_73 = arith.constant 16 : i32
        %add3A_74 = vector.broadcast %add3A_73 : i32 to vector<16xi32>
        %add3A_75 = arith.addi %iota3A, %add3A_74 : vector<16xi32>
        %add3A_76 = arith.constant 32 : i32
        %add3A_77 = vector.broadcast %add3A_76 : i32 to vector<16xi32>
        %add3A_78 = arith.addi %iota3A, %add3A_77 : vector<16xi32>
        %add3A_79 = arith.constant 48 : i32
        %add3A_80 = vector.broadcast %add3A_79 : i32 to vector<16xi32>
        %add3A_81 = arith.addi %iota3A, %add3A_80 : vector<16xi32>
        %add3A_82 = arith.constant 64 : i32
        %add3A_83 = vector.broadcast %add3A_82 : i32 to vector<16xi32>
        %add3A_84 = arith.addi %iota3A, %add3A_83 : vector<16xi32>
        %add3A_85 = arith.constant 0 : i32
        %add3A_86 = vector.broadcast %add3A_85 : i32 to vector<16xi32>
        %add3A_87 = arith.addi %add3A_84, %add3A_86 : vector<16xi32>
        %add3A_88 = arith.constant 64 : i32
        %add3A_89 = vector.broadcast %add3A_88 : i32 to vector<16xi32>
        %add3A_90 = arith.addi %iota3A, %add3A_89 : vector<16xi32>
        %add3A_91 = arith.constant 16 : i32
        %add3A_92 = vector.broadcast %add3A_91 : i32 to vector<16xi32>
        %add3A_93 = arith.addi %add3A_90, %add3A_92 : vector<16xi32>
        %add3A_94 = arith.constant 64 : i32
        %add3A_95 = vector.broadcast %add3A_94 : i32 to vector<16xi32>
        %add3A_96 = arith.addi %iota3A, %add3A_95 : vector<16xi32>
        %add3A_97 = arith.constant 32 : i32
        %add3A_98 = vector.broadcast %add3A_97 : i32 to vector<16xi32>
        %add3A_99 = arith.addi %add3A_96, %add3A_98 : vector<16xi32>
        %add3A_100 = arith.constant 64 : i32
        %add3A_101 = vector.broadcast %add3A_100 : i32 to vector<16xi32>
        %add3A_102 = arith.addi %iota3A, %add3A_101 : vector<16xi32>
        %add3A_103 = arith.constant 48 : i32
        %add3A_104 = vector.broadcast %add3A_103 : i32 to vector<16xi32>
        %add3A_105 = arith.addi %add3A_102, %add3A_104 : vector<16xi32>
        %add3A_106 = arith.constant 64 : i32
        %add3A_107 = vector.broadcast %add3A_106 : i32 to vector<16xi32>
        %add3A_108 = arith.addi %iota3A, %add3A_107 : vector<16xi32>
        %add3A_109 = arith.constant 64 : i32
        %add3A_110 = vector.broadcast %add3A_109 : i32 to vector<16xi32>
        %add3A_111 = arith.addi %add3A_108, %add3A_110 : vector<16xi32>
        %add3A_112 = arith.constant 64 : i32
        %add3A_113 = vector.broadcast %add3A_112 : i32 to vector<16xi32>
        %add3A_114 = arith.addi %iota3A, %add3A_113 : vector<16xi32>
        %add3A_115 = arith.constant 80 : i32
        %add3A_116 = vector.broadcast %add3A_115 : i32 to vector<16xi32>
        %add3A_117 = arith.addi %add3A_114, %add3A_116 : vector<16xi32>
        %add3A_118 = arith.constant 64 : i32
        %add3A_119 = vector.broadcast %add3A_118 : i32 to vector<16xi32>
        %add3A_120 = arith.addi %iota3A, %add3A_119 : vector<16xi32>
        %add3A_121 = arith.constant 96 : i32
        %add3A_122 = vector.broadcast %add3A_121 : i32 to vector<16xi32>
        %add3A_123 = arith.addi %add3A_120, %add3A_122 : vector<16xi32>
        %add3A_124 = arith.constant 64 : i32
        %add3A_125 = vector.broadcast %add3A_124 : i32 to vector<16xi32>
        %add3A_126 = arith.addi %iota3A, %add3A_125 : vector<16xi32>
        %add3A_127 = arith.constant 112 : i32
        %add3A_128 = vector.broadcast %add3A_127 : i32 to vector<16xi32>
        %add3A_129 = arith.addi %add3A_126, %add3A_128 : vector<16xi32>
        %scan3A_130 = arith.constant 0 : i32
        %scan3A_131 = arith.constant 0 : i32
        %scan3A_132 = arith.constant 64 : i32
        %scan3A_133 = arith.addi %scan3A_131, %scan3A_132 : i32
        %scan3A_134 = arith.constant 1 : i32
        scf.for %scan3A_142 = %scan3A_131 to %scan3A_133 step %scan3A_134  : i32 {
          %mul3A_143 = arith.constant 2 : i32
          %mul3A_144 = arith.muli %scan3A_142, %mul3A_143 : i32
          %add3A_145 = arith.constant 0 : i32
          %add3A_146 = arith.addi %mul3A_144, %add3A_145 : i32
          %broadcast_in_dim3A = vector.broadcast %add3A_146 : i32 to vector<16xi32>
          %get3A = arith.index_cast %add3A_146 : i32 to index
          %get3A_147 = arith.constant 0 : index
          %get3A_148 = tpu.vector_load %arg10[%get3A, %get3A_147] {strides = array<i32>} : memref<256x128xf32, #tpu.memory_space<vmem>>, vector<16xf32>,
          tpu.vector_store_idx %arg12[%add3A_72, %broadcast_in_dim3A], %get3A_148 : memref<192x128xf32, #tpu.memory_space<vmem>>[vector<16xi32>, vector<16xi32>], vector<16xf32>,
          %get3A_149 = arith.index_cast %add3A_146 : i32 to index
          %get3A_150 = arith.constant 16 : index
          %get3A_151 = tpu.vector_load %arg10[%get3A_149, %get3A_150] {strides = array<i32>} : memref<256x128xf32, #tpu.memory_space<vmem>>, vector<16xf32>,
          tpu.vector_store_idx %arg12[%add3A_75, %broadcast_in_dim3A], %get3A_151 : memref<192x128xf32, #tpu.memory_space<vmem>>[vector<16xi32>, vector<16xi32>], vector<16xf32>,
          %get3A_152 = arith.index_cast %add3A_146 : i32 to index
          %get3A_153 = arith.constant 32 : index
          %get3A_154 = tpu.vector_load %arg10[%get3A_152, %get3A_153] {strides = array<i32>} : memref<256x128xf32, #tpu.memory_space<vmem>>, vector<16xf32>,
          tpu.vector_store_idx %arg12[%add3A_78, %broadcast_in_dim3A], %get3A_154 : memref<192x128xf32, #tpu.memory_space<vmem>>[vector<16xi32>, vector<16xi32>], vector<16xf32>,
          %get3A_155 = arith.index_cast %add3A_146 : i32 to index
          %get3A_156 = arith.constant 48 : index
          %get3A_157 = tpu.vector_load %arg10[%get3A_155, %get3A_156] {strides = array<i32>} : memref<256x128xf32, #tpu.memory_space<vmem>>, vector<16xf32>,
          tpu.vector_store_idx %arg12[%add3A_81, %broadcast_in_dim3A], %get3A_157 : memref<192x128xf32, #tpu.memory_space<vmem>>[vector<16xi32>, vector<16xi32>], vector<16xf32>,
          %add3A_158 = arith.constant 128 : i32
          %add3A_159 = arith.addi %add3A_158, %add3A_146 : i32
          %get3A_160 = arith.index_cast %add3A_159 : i32 to index
          %get3A_161 = arith.constant 0 : index
          %get3A_162 = tpu.vector_load %arg10[%get3A_160, %get3A_161] {strides = array<i32>} : memref<256x128xf32, #tpu.memory_space<vmem>>, vector<16xf32>,
          tpu.vector_store_idx %arg12[%add3A_87, %broadcast_in_dim3A], %get3A_162 : memref<192x128xf32, #tpu.memory_space<vmem>>[vector<16xi32>, vector<16xi32>], vector<16xf32>,
          %add3A_163 = arith.constant 128 : i32
          %add3A_164 = arith.addi %add3A_163, %add3A_146 : i32
          %get3A_165 = arith.index_cast %add3A_164 : i32 to index
          %get3A_166 = arith.constant 16 : index
          %get3A_167 = tpu.vector_load %arg10[%get3A_165, %get3A_166] {strides = array<i32>} : memref<256x128xf32, #tpu.memory_space<vmem>>, vector<16xf32>,
          tpu.vector_store_idx %arg12[%add3A_93, %broadcast_in_dim3A], %get3A_167 : memref<192x128xf32, #tpu.memory_space<vmem>>[vector<16xi32>, vector<16xi32>], vector<16xf32>,
          %add3A_168 = arith.constant 128 : i32
          %add3A_169 = arith.addi %add3A_168, %add3A_146 : i32
          %get3A_170 = arith.index_cast %add3A_169 : i32 to index
          %get3A_171 = arith.constant 32 : index
          %get3A_172 = tpu.vector_load %arg10[%get3A_170, %get3A_171] {strides = array<i32>} : memref<256x128xf32, #tpu.memory_space<vmem>>, vector<16xf32>,
          tpu.vector_store_idx %arg12[%add3A_99, %broadcast_in_dim3A], %get3A_172 : memref<192x128xf32, #tpu.memory_space<vmem>>[vector<16xi32>, vector<16xi32>], vector<16xf32>,
          %add3A_173 = arith.constant 128 : i32
          %add3A_174 = arith.addi %add3A_173, %add3A_146 : i32
          %get3A_175 = arith.index_cast %add3A_174 : i32 to index
          %get3A_176 = arith.constant 48 : index
          %get3A_177 = tpu.vector_load %arg10[%get3A_175, %get3A_176] {strides = array<i32>} : memref<256x128xf32, #tpu.memory_space<vmem>>, vector<16xf32>,
          tpu.vector_store_idx %arg12[%add3A_105, %broadcast_in_dim3A], %get3A_177 : memref<192x128xf32, #tpu.memory_space<vmem>>[vector<16xi32>, vector<16xi32>], vector<16xf32>,
          %add3A_178 = arith.constant 128 : i32
          %add3A_179 = arith.addi %add3A_178, %add3A_146 : i32
          %get3A_180 = arith.index_cast %add3A_179 : i32 to index
          %get3A_181 = arith.constant 64 : index
          %get3A_182 = tpu.vector_load %arg10[%get3A_180, %get3A_181] {strides = array<i32>} : memref<256x128xf32, #tpu.memory_space<vmem>>, vector<16xf32>,
          tpu.vector_store_idx %arg12[%add3A_111, %broadcast_in_dim3A], %get3A_182 : memref<192x128xf32, #tpu.memory_space<vmem>>[vector<16xi32>, vector<16xi32>], vector<16xf32>,
          %add3A_183 = arith.constant 128 : i32
          %add3A_184 = arith.addi %add3A_183, %add3A_146 : i32
          %get3A_185 = arith.index_cast %add3A_184 : i32 to index
          %get3A_186 = arith.constant 80 : index
          %get3A_187 = tpu.vector_load %arg10[%get3A_185, %get3A_186] {strides = array<i32>} : memref<256x128xf32, #tpu.memory_space<vmem>>, vector<16xf32>,
          tpu.vector_store_idx %arg12[%add3A_117, %broadcast_in_dim3A], %get3A_187 : memref<192x128xf32, #tpu.memory_space<vmem>>[vector<16xi32>, vector<16xi32>], vector<16xf32>,
          %add3A_188 = arith.constant 128 : i32
          %add3A_189 = arith.addi %add3A_188, %add3A_146 : i32
          %get3A_190 = arith.index_cast %add3A_189 : i32 to index
          %get3A_191 = arith.constant 96 : index
          %get3A_192 = tpu.vector_load %arg10[%get3A_190, %get3A_191] {strides = array<i32>} : memref<256x128xf32, #tpu.memory_space<vmem>>, vector<16xf32>,
          tpu.vector_store_idx %arg12[%add3A_123, %broadcast_in_dim3A], %get3A_192 : memref<192x128xf32, #tpu.memory_space<vmem>>[vector<16xi32>, vector<16xi32>], vector<16xf32>,
          %add3A_193 = arith.constant 128 : i32
          %add3A_194 = arith.addi %add3A_193, %add3A_146 : i32
          %get3A_195 = arith.index_cast %add3A_194 : i32 to index
          %get3A_196 = arith.constant 112 : index
          %get3A_197 = tpu.vector_load %arg10[%get3A_195, %get3A_196] {strides = array<i32>} : memref<256x128xf32, #tpu.memory_space<vmem>>, vector<16xf32>,
          tpu.vector_store_idx %arg12[%add3A_129, %broadcast_in_dim3A], %get3A_197 : memref<192x128xf32, #tpu.memory_space<vmem>>[vector<16xi32>, vector<16xi32>], vector<16xf32>,
          %mul3A_198 = arith.constant 2 : i32
          %mul3A_199 = arith.muli %scan3A_142, %mul3A_198 : i32
          %add3A_200 = arith.constant 1 : i32
          %add3A_201 = arith.addi %mul3A_199, %add3A_200 : i32
          %broadcast_in_dim3A_202 = vector.broadcast %add3A_201 : i32 to vector<16xi32>
          %get3A_203 = arith.index_cast %add3A_201 : i32 to index
          %get3A_204 = arith.constant 0 : index
          %get3A_205 = tpu.vector_load %arg10[%get3A_203, %get3A_204] {strides = array<i32>} : memref<256x128xf32, #tpu.memory_space<vmem>>, vector<16xf32>,
          tpu.vector_store_idx %arg12[%add3A_72, %broadcast_in_dim3A_202], %get3A_205 : memref<192x128xf32, #tpu.memory_space<vmem>>[vector<16xi32>, vector<16xi32>], vector<16xf32>,
          %get3A_206 = arith.index_cast %add3A_201 : i32 to index
          %get3A_207 = arith.constant 16 : index
          %get3A_208 = tpu.vector_load %arg10[%get3A_206, %get3A_207] {strides = array<i32>} : memref<256x128xf32, #tpu.memory_space<vmem>>, vector<16xf32>,
          tpu.vector_store_idx %arg12[%add3A_75, %broadcast_in_dim3A_202], %get3A_208 : memref<192x128xf32, #tpu.memory_space<vmem>>[vector<16xi32>, vector<16xi32>], vector<16xf32>,
          %get3A_209 = arith.index_cast %add3A_201 : i32 to index
          %get3A_210 = arith.constant 32 : index
          %get3A_211 = tpu.vector_load %arg10[%get3A_209, %get3A_210] {strides = array<i32>} : memref<256x128xf32, #tpu.memory_space<vmem>>, vector<16xf32>,
          tpu.vector_store_idx %arg12[%add3A_78, %broadcast_in_dim3A_202], %get3A_211 : memref<192x128xf32, #tpu.memory_space<vmem>>[vector<16xi32>, vector<16xi32>], vector<16xf32>,
          %get3A_212 = arith.index_cast %add3A_201 : i32 to index
          %get3A_213 = arith.constant 48 : index
          %get3A_214 = tpu.vector_load %arg10[%get3A_212, %get3A_213] {strides = array<i32>} : memref<256x128xf32, #tpu.memory_space<vmem>>, vector<16xf32>,
          tpu.vector_store_idx %arg12[%add3A_81, %broadcast_in_dim3A_202], %get3A_214 : memref<192x128xf32, #tpu.memory_space<vmem>>[vector<16xi32>, vector<16xi32>], vector<16xf32>,
          %add3A_215 = arith.constant 128 : i32
          %add3A_216 = arith.addi %add3A_215, %add3A_201 : i32
          %get3A_217 = arith.index_cast %add3A_216 : i32 to index
          %get3A_218 = arith.constant 0 : index
          %get3A_219 = tpu.vector_load %arg10[%get3A_217, %get3A_218] {strides = array<i32>} : memref<256x128xf32, #tpu.memory_space<vmem>>, vector<16xf32>,
          tpu.vector_store_idx %arg12[%add3A_87, %broadcast_in_dim3A_202], %get3A_219 : memref<192x128xf32, #tpu.memory_space<vmem>>[vector<16xi32>, vector<16xi32>], vector<16xf32>,
          %add3A_220 = arith.constant 128 : i32
          %add3A_221 = arith.addi %add3A_220, %add3A_201 : i32
          %get3A_222 = arith.index_cast %add3A_221 : i32 to index
          %get3A_223 = arith.constant 16 : index
          %get3A_224 = tpu.vector_load %arg10[%get3A_222, %get3A_223] {strides = array<i32>} : memref<256x128xf32, #tpu.memory_space<vmem>>, vector<16xf32>,
          tpu.vector_store_idx %arg12[%add3A_93, %broadcast_in_dim3A_202], %get3A_224 : memref<192x128xf32, #tpu.memory_space<vmem>>[vector<16xi32>, vector<16xi32>], vector<16xf32>,
          %add3A_225 = arith.constant 128 : i32
          %add3A_226 = arith.addi %add3A_225, %add3A_201 : i32
          %get3A_227 = arith.index_cast %add3A_226 : i32 to index
          %get3A_228 = arith.constant 32 : index
          %get3A_229 = tpu.vector_load %arg10[%get3A_227, %get3A_228] {strides = array<i32>} : memref<256x128xf32, #tpu.memory_space<vmem>>, vector<16xf32>,
          tpu.vector_store_idx %arg12[%add3A_99, %broadcast_in_dim3A_202], %get3A_229 : memref<192x128xf32, #tpu.memory_space<vmem>>[vector<16xi32>, vector<16xi32>], vector<16xf32>,
          %add3A_230 = arith.constant 128 : i32
          %add3A_231 = arith.addi %add3A_230, %add3A_201 : i32
          %get3A_232 = arith.index_cast %add3A_231 : i32 to index
          %get3A_233 = arith.constant 48 : index
          %get3A_234 = tpu.vector_load %arg10[%get3A_232, %get3A_233] {strides = array<i32>} : memref<256x128xf32, #tpu.memory_space<vmem>>, vector<16xf32>,
          tpu.vector_store_idx %arg12[%add3A_105, %broadcast_in_dim3A_202], %get3A_234 : memref<192x128xf32, #tpu.memory_space<vmem>>[vector<16xi32>, vector<16xi32>], vector<16xf32>,
          %add3A_235 = arith.constant 128 : i32
          %add3A_236 = arith.addi %add3A_235, %add3A_201 : i32
          %get3A_237 = arith.index_cast %add3A_236 : i32 to index
          %get3A_238 = arith.constant 64 : index
          %get3A_239 = tpu.vector_load %arg10[%get3A_237, %get3A_238] {strides = array<i32>} : memref<256x128xf32, #tpu.memory_space<vmem>>, vector<16xf32>,
          tpu.vector_store_idx %arg12[%add3A_111, %broadcast_in_dim3A_202], %get3A_239 : memref<192x128xf32, #tpu.memory_space<vmem>>[vector<16xi32>, vector<16xi32>], vector<16xf32>,
          %add3A_240 = arith.constant 128 : i32
          %add3A_241 = arith.addi %add3A_240, %add3A_201 : i32
          %get3A_242 = arith.index_cast %add3A_241 : i32 to index
          %get3A_243 = arith.constant 80 : index
          %get3A_244 = tpu.vector_load %arg10[%get3A_242, %get3A_243] {strides = array<i32>} : memref<256x128xf32, #tpu.memory_space<vmem>>, vector<16xf32>,
          tpu.vector_store_idx %arg12[%add3A_117, %broadcast_in_dim3A_202], %get3A_244 : memref<192x128xf32, #tpu.memory_space<vmem>>[vector<16xi32>, vector<16xi32>], vector<16xf32>,
          %add3A_245 = arith.constant 128 : i32
          %add3A_246 = arith.addi %add3A_245, %add3A_201 : i32
          %get3A_247 = arith.index_cast %add3A_246 : i32 to index
          %get3A_248 = arith.constant 96 : index
          %get3A_249 = tpu.vector_load %arg10[%get3A_247, %get3A_248] {strides = array<i32>} : memref<256x128xf32, #tpu.memory_space<vmem>>, vector<16xf32>,
          tpu.vector_store_idx %arg12[%add3A_123, %broadcast_in_dim3A_202], %get3A_249 : memref<192x128xf32, #tpu.memory_space<vmem>>[vector<16xi32>, vector<16xi32>], vector<16xf32>,
          %add3A_250 = arith.constant 128 : i32
          %add3A_251 = arith.addi %add3A_250, %add3A_201 : i32
          %get3A_252 = arith.index_cast %add3A_251 : i32 to index
          %get3A_253 = arith.constant 112 : index
          %get3A_254 = tpu.vector_load %arg10[%get3A_252, %get3A_253] {strides = array<i32>} : memref<256x128xf32, #tpu.memory_space<vmem>>, vector<16xf32>,
          tpu.vector_store_idx %arg12[%add3A_129, %broadcast_in_dim3A_202], %get3A_254 : memref<192x128xf32, #tpu.memory_space<vmem>>[vector<16xi32>, vector<16xi32>], vector<16xf32>,
        }
        %scan3A_135 = arith.constant 64 : i32
        %sub3A = arith.constant 2 : i32
        %sub3A_136 = arith.subi %add3A_40, %sub3A : i32
        %dma_start3A = arith.constant 0 : i32
        %dma_start3A_137 = tpu.memref_slice %arg6[%sub3A_136, %dma_start3A, %mul3A_2] : memref<50x192x4096xf32, #tpu.memory_space<hbm>> -> memref<1x192x128xf32, #tpu.memory_space<hbm>>
        %dma_start3A_138 = tpu.memref_squeeze %dma_start3A_137 : memref<1x192x128xf32, #tpu.memory_space<hbm>> -> memref<192x128xf32, #tpu.memory_space<hbm>>
        %dma_start3A_139 = arith.constant 0 : i32
        %dma_start3A_140 = tpu.memref_slice %arg6[%sub3A_136, %dma_start3A_139, %mul3A_2] : memref<50x192x4096xf32, #tpu.memory_space<hbm>> -> memref<1x192x128xf32, #tpu.memory_space<hbm>>
        %dma_start3A_141 = tpu.memref_squeeze %dma_start3A_140 : memref<1x192x128xf32, #tpu.memory_space<hbm>> -> memref<192x128xf32, #tpu.memory_space<hbm>>
        tpu.enqueue_dma source(%arg12 : memref<192x128xf32, #tpu.memory_space<vmem>>) target(%dma_start3A_141 : memref<192x128xf32, #tpu.memory_space<hbm>>) target_semaphore(%arg16 : memref<!tpu.dma_semaphore, #tpu.memory_space<semaphore_mem>>)
      } else {
      }
      %lt3A_65 = arith.constant 50 : i32
      %lt3A_66 = arith.cmpi slt, %add3A_40, %lt3A_65 : i32
      %convert_element_type3A_67 = arith.extui %lt3A_66 : i1 to i32
      %cond3A_68 = arith.constant 0 : i32
      %cond3A_69 = arith.cmpi ne, %convert_element_type3A_67, %cond3A_68 : i32
      scf.if %cond3A_69 {
        %dma_start3A = arith.constant 0 : i32
        %dma_start3A_70 = arith.constant 0 : i32
        %dma_start3A_71 = tpu.memref_slice %arg10[%dma_start3A, %dma_start3A_70] : memref<256x128xf32, #tpu.memory_space<vmem>> -> memref<128x128xf32, #tpu.memory_space<vmem>>
        %dma_start3A_72 = arith.constant 0 : i32
        %dma_start3A_73 = tpu.memref_slice %arg8[%add3A_40, %dma_start3A_72] : memref<50x128xi32, #tpu.memory_space<vmem>> -> memref<1x128xi32, #tpu.memory_space<vmem>>
        %dma_start3A_74 = tpu.memref_squeeze %dma_start3A_73 : memref<1x128xi32, #tpu.memory_space<vmem>> -> memref<128xi32, #tpu.memory_space<vmem>>
        %dma_start3A_75 = arith.constant 0 : i32
        %dma_start3A_76 = arith.constant 0 : i32
        %dma_start3A_77 = tpu.memref_slice %arg5[%dma_start3A_75, %dma_start3A_76] : memref<1000x128xf32, #tpu.memory_space<hbm>> -> memref<1000x128xf32, #tpu.memory_space<hbm>>
        tpu.enqueue_indirect_dma source(%dma_start3A_77 : memref<1000x128xf32, #tpu.memory_space<hbm>>) target(%dma_start3A_71 : memref<128x128xf32, #tpu.memory_space<vmem>>) offsets(%dma_start3A_74 : memref<128xi32, #tpu.memory_space<vmem>>) semaphore(%arg14 : memref<!tpu.dma_semaphore, #tpu.memory_space<semaphore_mem>>)
        %dma_start3A_78 = arith.constant 128 : i32
        %dma_start3A_79 = arith.constant 0 : i32
        %dma_start3A_80 = tpu.memref_slice %arg10[%dma_start3A_78, %dma_start3A_79] : memref<256x128xf32, #tpu.memory_space<vmem>> -> memref<128x128xf32, #tpu.memory_space<vmem>>
        %dma_start3A_81 = arith.constant 0 : i32
        %dma_start3A_82 = tpu.memref_slice %arg7[%add3A_40, %dma_start3A_81] : memref<50x128xi32, #tpu.memory_space<vmem>> -> memref<1x128xi32, #tpu.memory_space<vmem>>
        %dma_start3A_83 = tpu.memref_squeeze %dma_start3A_82 : memref<1x128xi32, #tpu.memory_space<vmem>> -> memref<128xi32, #tpu.memory_space<vmem>>
        %dma_start3A_84 = arith.constant 0 : i32
        %dma_start3A_85 = arith.constant 0 : i32
        %dma_start3A_86 = tpu.memref_slice %arg4[%dma_start3A_84, %dma_start3A_85] : memref<100000x128xf32, #tpu.memory_space<hbm>> -> memref<100000x128xf32, #tpu.memory_space<hbm>>
        tpu.enqueue_indirect_dma source(%dma_start3A_86 : memref<100000x128xf32, #tpu.memory_space<hbm>>) target(%dma_start3A_80 : memref<128x128xf32, #tpu.memory_space<vmem>>) offsets(%dma_start3A_83 : memref<128xi32, #tpu.memory_space<vmem>>) semaphore(%arg14 : memref<!tpu.dma_semaphore, #tpu.memory_space<semaphore_mem>>)
      } else {
      }
    }
    %scan3A_7 = arith.constant 27 : i32
    return
  }
}

</mosaic_0001>

<sc_bundles>
// kernel: kernel.3.cloned.1.call-start
scs
__scs_entry_jumppad:
0x0: {  	(pc) =	sbr.rel $0x88, $3  }
0x1: {  	(tag) =	ssettag $0x0;
	lr =	simm.s32 $0x1  }
0x2: {  	[smem:$0x3F9D] =	sst lr;
	_ =	strace $0xD0000000  }
0x3: {  	_ = 	snop  }
0x4: {  	_ = 	snop  }
0x5: {  	_ = 	snop  }
0x6: {  	_ = 	snop  }
0x7: {  	_ = 	snop  }
__scs_overlays_trampoline_lowered:
0x8: {  	[smem:$0x3FAC] =	sst s0  }
0x9: {  	[smem:$0x3FAD] =	sst s1  }
0xa: {  	[smem:$0x3FAE] =	sst s2  }
0xb: {  	[smem:$0x3FAF] =	sst s3  }
0xc: {  	[smem:$0x3FB0] =	sst s4  }
0xd: {  	[smem:$0x3FB1] =	sst s5  }
0xe: {  	[smem:$0x3FB2] =	sst s6  }
0xf: {  	[smem:$0x3FB3] =	sst s7  }
0x10: {  	[smem:$0x3FB4] =	sst s8  }
0x11: {  	[smem:$0x3FB5] =	sst s9;
	s0 =	simm.s32 @!p0 $0x0  }
0x12: {  	s1 =	sld [smem:$0x3F9B];
	s0 =	simm.s32 @p0 $0x1  }
0x13: {  	[smem:$0x3FB6] =	sst s0;
	s0 =	simm.s32 @!p1 $0x0  }
0x14: {  	s2 =	sld [smem:$0x3F9A];
	s0 =	simm.s32 @p1 $0x1  }
0x15: {  	[smem:$0x3FB7] =	sst s0;
	s0 =	simm.s32 @!p2 $0x0  }
0x16: {  	s3 =	sld [smem:$0x3FDB];
	s0 =	simm.s32 @p2 $0x1  }
0x17: {  	s4 =	simm.s32 $0x1BF5;
	[smem:$0x3FB9] =	sst s0  }
0x18: {  	s0 =	sld [smem:$0x3F9C];
	_ =	swait.ge [sflag:s4], $0x0  }
0x19: {  	s7 =	sld [smem:$0x3F9D]  }
0x1a: {  	s8 =	sadd.s32 $0xFFFFE003, lr  }
0x1b: {  	s9 =	sadd.s32 $0xFFFFFEF7, lr;
	s5 =	simm.s32 $0xFFFFFFFF;
	p2 =	slt.u32 s8, $0xFFFFF086  }
0x1c: {  	p1 =	slt.u32 s9, $0xF7A;
	s5 =	simm.s32 @!p2 $0x0  }
0x1d: {  	s5 =	simm.s32 @p1 $0x1;
	p0 =	seq.s32 s7, s2  }
0x1e: {  	s7 =	smul.u32 @!p0 $0xF7A, s2;
	p2 =	seq.s32 @!p0 s5, $0x0  }
0x1f: {  	s9 =	smul.u32 $0xF7A, s1;
	s8 =	simm.s32 @!p0 $0x1BF5;
	p2 =	por !p2, p0  }
0x20: {  	[sflag:s8] =	ssyncset.s32 @!p0 $0xFFFFF086;
	s6 =	sadd.s32 @!p0 s3, s7;
	s7 =	simm.s32 @!p0 $0x108  }
0x21: {  	s3 =	sadd.s32 s3, s9;
	s6 =	sadd.s32 @!p0 $0x88, s6;
	s7 =	simm.s32 @p2 $0x1082  }
0x22: {  	[simem:s7], [sflag:s8] =	dma.local @!p0 [hbm:s6], $0xF7A  }
0x23: {  	s9 =	sor.u32 $0xD0000000, s2;
	s6 =	simm.s32 $0x108;
	_ =	swait.ge @!p0 [sflag:s8], $0x0  }
0x24: {  	s3 =	sadd.s32 $0x88, s3;
	s6 =	simm.s32 @!p1 $0x1082;
	[sflag:s4] =	ssyncset.s32 $0xFFFFF086  }
0x25: {  	[simem:s6], [sflag:s4] =	dma.local [hbm:s3], $0xF7A  }
0x26: {  	[smem:$0x3F9D] =	sst s1;
	(tag) =	ssettag s2;
	_ =	strace s9  }
0x27: {  	s1 =	sld [smem:$0x3FAD]  }
0x28: {  	s2 =	sld [smem:$0x3FAE]  }
0x29: {  	s4 =	sld [smem:$0x3FB0]  }
0x2a: {  	p0 =	seq.s32 s5, $0x0;
	s5 =	sld [smem:$0x3FB1]  }
0x2b: {  	s6 =	sld [smem:$0x3FB2]  }
0x2c: {  	s7 =	sld [smem:$0x3FB3]  }
0x2d: {  	s3 =	simm.s32 $0x108;
	s8 =	sld [smem:$0x3FB4]  }
0x2e: {  	s3 =	simm.s32 @!p0 $0x1082;
	s9 =	sld [smem:$0x3FB5]  }
0x2f: {  	lr =	sadd.s32 s0, s3;
	s0 =	sld [smem:$0x3FAC]  }
0x30: {  	s3 =	sld [smem:$0x3FAF]  }
0x31: {  	[smem:$0x3FB8] =	sst s10  }
0x32: {  	s10 =	sld [smem:$0x3FB6];
	_ =	sdelay $0x3  }
0x33: {  	p0 =	seq.s32 s10, $0x1;
	s10 =	sld [smem:$0x3FB8];
	_ =	sdelay $0x3  }
0x34: {  	[smem:$0x3FB8] =	sst s10  }
0x35: {  	s10 =	sld [smem:$0x3FB7];
	_ =	sdelay $0x3  }
0x36: {  	p1 =	seq.s32 s10, $0x1;
	s10 =	sld [smem:$0x3FB8];
	_ =	sdelay $0x3  }
0x37: {  	[smem:$0x3FB8] =	sst s10  }
0x38: {  	s10 =	sld [smem:$0x3FB9]  }
0x39: {  	_ = 	snop;
	(pc) =	sbr.ind lr, $3  }
0x3a: {  	_ = 	snop  }
0x3b: {  	_ = 	snop  }
0x3c: {  	p2 =	seq.s32 s10, $0x1;
	s10 =	sld [smem:$0x3FB8]  }
0x3d: {  	_ =	shalt  }
0x3e: {  	_ =	shalt  }
0x3f: {  	_ =	shalt  }
0x40: {  	_ =	shalt  }
0x41: {  	_ =	shalt  }
0x42: {  	_ =	shalt  }
0x43: {  	_ =	shalt  }
0x44: {  	_ =	shalt  }
0x45: {  	_ =	shalt  }
0x46: {  	_ =	shalt  }
0x47: {  	_ =	shalt  }
0x48: {  	_ =	shalt  }
0x49: {  	_ =	shalt  }
0x4a: {  	_ =	shalt  }
0x4b: {  	_ =	shalt  }
0x4c: {  	_ =	shalt  }
0x4d: {  	_ =	shalt  }
0x4e: {  	_ =	shalt  }
0x4f: {  	_ =	shalt  }
0x50: {  	_ =	shalt  }
0x51: {  	_ =	shalt  }
0x52: {  	_ =	shalt  }
0x53: {  	_ =	shalt  }
0x54: {  	_ =	shalt  }
0x55: {  	_ =	shalt  }
0x56: {  	_ =	shalt  }
0x57: {  	_ =	shalt  }
0x58: {  	_ =	shalt  }
0x59: {  	_ =	shalt  }
0x5a: {  	_ =	shalt  }
0x5b: {  	_ =	shalt  }
0x5c: {  	_ =	shalt  }
0x5d: {  	_ =	shalt  }
0x5e: {  	_ =	shalt  }
0x5f: {  	_ =	shalt  }
0x60: {  	_ =	shalt  }
0x61: {  	_ =	shalt  }
0x62: {  	_ =	shalt  }
0x63: {  	_ =	shalt  }
0x64: {  	_ =	shalt  }
0x65: {  	_ =	shalt  }
0x66: {  	_ =	shalt  }
0x67: {  	_ =	shalt  }
0x68: {  	_ =	shalt  }
0x69: {  	_ =	shalt  }
0x6a: {  	_ =	shalt  }
0x6b: {  	_ =	shalt  }
0x6c: {  	_ =	shalt  }
0x6d: {  	_ =	shalt  }
0x6e: {  	_ =	shalt  }
0x6f: {  	_ =	shalt  }
0x70: {  	_ =	shalt  }
0x71: {  	_ =	shalt  }
0x72: {  	_ =	shalt  }
0x73: {  	_ =	shalt  }
0x74: {  	_ =	shalt  }
0x75: {  	_ =	shalt  }
0x76: {  	_ =	shalt  }
0x77: {  	_ =	shalt  }
0x78: {  	_ =	shalt  }
0x79: {  	_ =	shalt  }
0x7a: {  	_ =	shalt  }
0x7b: {  	_ =	shalt  }
0x7c: {  	_ =	shalt  }
0x7d: {  	_ =	shalt  }
0x7e: {  	_ =	shalt  }
0x7f: {  	_ =	shalt  }
0x80: {  	_ =	shalt  }
0x81: {  	_ =	shalt  }
0x82: {  	_ =	shalt  }
0x83: {  	_ =	shalt  }
0x84: {  	_ =	shalt  }
0x85: {  	_ =	shalt  }
0x86: {  	_ =	shalt  }
0x87: {  	_ =	shalt  }
.Lfunc_end0:
.L_simem_size_0:
called_computation_lowered:
.L_overlay_start_0:
0x88: {  	s2 =	sld [smem:$0x3FD9]  }
0x89: {  	s3 =	sld [smem:$0x3FFE];
	_ =	sdelay $0x1  }
0x8a: {  	s1 =	srdreg.scid  }
0x8b: {  	s0 =	sand.u32 $0x1, s1  }
0x8c: {  	s17 =	sshll.u32 s0, $0xA;
	s2 =	sadd.s32 s3, s2  }
0x8d: {  	s2 =	sadd.s32 s2, s17  }
0x8e: {  	[smem:$0x3FC4] =	sst s2  }
0x8f: {  	_ = 	snop  }
0x90: {  	s2 =	sld [smem:$0x3FC9]  }
0x91: {  	s18 =	sld [smem:$0x3FC8]  }
0x92: {  	s4 =	sld [smem:$0x3FC7]  }
0x93: {  	s5 =	sld [smem:$0x3FD0];
	(tm) =	ssettm $0x1  }
0x94: {  	s6 =	sld [smem:$0x3FFB];
	_ =	sdelay $0x3  }
0x95: {  	_ =	strace s6  }
0x96: {  	s6 =	sld [smem:$0x3FFC];
	_ =	sdelay $0x3  }
0x97: {  	_ =	strace s6  }
0x98: {  	s6 =	sld [smem:$0x3FFD];
	_ =	sdelay $0x3  }
0x99: {  	_ =	strace s6  }
0x9a: {  	_ =	strace $0x8FFFFFFF  }
0x9b: {  	s19 =	sld [smem:$0x3FDB];
	_ =	sdelay $0x1  }
0x9c: {  	s7 =	simm.s32 $_scs_section_size  }
0x9d: {  	s8 =	simm.s32 $_size__tile_overlayer_lowered;
	s9 =	simm.s32 $_tile_overlayer_lowered  }
0x9e: {  	s22 =	simm.s32 $0x1BFF;
	s21 =	sshll.u32 s9, $0x1;
	s6 =	sadd.s32 s7, s19  }
0x9f: {  	s10 =	simm.s32 $0x0;
	s20 =	sshll.u32 s8, $0x1;
	s8 =	sadd.s32 s21, s6  }
0xa0: {  	[timem:s10], [sflag:s22] =	dma.local [hbm:s8], s20  }
0xa1: {  	_ =	swait.ge [sflag:s22], s20  }
0xa2: {  	s7 =	ssub.s32 $0x0, s20;
	[sflag:s22] =	ssyncset.done $0x0  }
0xa3: {  	[sflag:s22] =	ssyncadd.s32 s7;
	_ =	sdelay $0x1  }
0xa4: {  	s23 =	simm.s32 $0x1B8B  }
0xa5: {  	_ =	swait.ge [sflag:s23], $0x1  }
0xa6: {  	[sflag:s23] =	ssyncset.done $0x0  }
0xa7: {  	s25 =	simm.s32 $0x1B8E;
	s24 =	sld [smem:$0x3FFE];
	[sflag:s23] =	ssyncadd.s32 $0xFFFFFFFF  }
0xa8: {  	s26 =	simm.s32 $execute0_lowered;
	[smem:$0x3FD2] =	sst s25  }
0xa9: {  	s8 =	sshll.u32 s26, $0x1;
	_ =	strace $0x80000046;
	[dreg:$0x1] =	wrdreg $0xFFFFFFFF  }
0xaa: {  	s28 =	simm.s32 $_size_execute0_lowered;
	s6 =	sadd.s32 s6, s8;
	[dreg:$0x0] =	wrdreg $0x0  }
0xab: {  	s8 =	sshll.u32 s28, $0x1;
	[dreg:$0x2] =	wrdreg s6  }
0xac: {  	[dreg:$0x3] =	wrdreg s8  }
0xad: {  	[dreg:$0x4] =	wrdreg $0xC0  }
0xae: {  	_ =	task [dreg:s10], $0x5FFFF  }
0xaf: {  	[dreg:$0x1] =	wrdreg $0xFFFFFFFF  }
0xb0: {  	[dreg:$0x0] =	wrdreg $0x60  }
0xb1: {  	[dreg:$0x2] =	wrdreg s2  }
0xb2: {  	[dreg:$0x3] =	wrdreg s18  }
0xb3: {  	[dreg:$0x4] =	wrdreg s4  }
0xb4: {  	[dreg:$0x5] =	wrdreg s24  }
0xb5: {  	[dreg:$0x6] =	wrdreg s5  }
0xb6: {  	[dreg:$0x7] =	wrdreg $0x9  }
0xb7: {  	_ =	task.clear_ibuf [dreg:s10], $0x8FFFF;
	_ =	strace $0x90000046  }
0xb8: {  	s29 =	simm.s32 $0x9;
	_ =	strace $0x80000048  }
0xb9: {  	_ =	swait.ge [sflag:s29], $0x1  }
0xba: {  	[sflag:s29] =	ssyncadd.s32 $0xFFFFFFFF  }
0xbb: {  	_ =	strace $0x90000048  }
0xbc: {  	_ =	sfence  }
0xbd: {  	s30 =	sld [smem:$0x0];
	_ =	sdelay $0x2  }
0xbe: {  	s31 =	sshll.u32 s1, $0xD;
	s1 =	sshrl.u32 s1, $0x2  }
0xbf: {  	s3 =	sand.u32 $0x4000, s31;
	s1 =	sadd.s32 s1, s30  }
0xc0: {  	s0 =	sor.u32 s3, s0;
	s1 =	sshll.u32 s1, $0x11  }
0xc1: {  	s0 =	sor.u32 s1, s0  }
0xc2: {  	s0 =	sadd.s32 $0x8F2B, s0  }
0xc3: {  	[sflag:s0] =	ssyncadd.remote.s32 $0x1  }
0xc4: {  	_ =	sfence.sel $0xFFFF  }
0xc5: {  	[dreg:$0x0] =	wrdreg $0xFFFFFFFF;
	(pc) =	sbr.abs _section_cstart, $3  }
0xc6: {  	[dreg:$0x1] =	wrdreg $0xFFFFFFFF  }
0xc7: {  	_ =	task.clear_ibuf [dreg:s10], $0x2FFFF;
	_ =	strace $0x9FFFFFFF  }
0xc8: {  	(tm) =	ssettm $0x7FFFFFFF  }
0xc9: {  	_ =	shalt  }
tec
execute0_lowered:
.L_overlay_start_1:
0x0: {  	(tag) =	ssettag $0x1  }
0x1: {  	s6 =	rddreg [dreg:$0x0]  }
0x2: {  	s8 =	rddreg [dreg:$0x1]  }
0x3: {  	s1 =	rddreg [dreg:$0x2]  }
0x4: {  	s5 =	rddreg [dreg:$0x3]  }
0x5: {  	s3 =	rddreg [dreg:$0x4]  }
0x6: {  	s4 =	srdreg.scid;
	s0 =	rddreg [dreg:$0x5]  }
0x7: {  	s2 =	stileid.u32;
	s13 =	simm.s32 $0x8000;
	s14 =	simm.s32 $0x1800  }
0x8: {  	s15 =	simm.s32 $0x5;
	s16 =	simm.s32 $0x1C00;
	s18 =	simm.s32 $0x3400  }
0x9: {  	s19 =	simm.s32 $0x13800;
	s20 =	simm.s32 $0x19800;
	s21 =	simm.s32 $0x0  }
0xa: {  	v0 =	vlaneseq.u32;
	s7 =	sand.u32 $0x1, s4;
	s4 =	simm.s32 $0x0;
	s9 =	sshll.u32 s2, $0xB  }
0xb: {  	s5 =	sadd.s32 $0x400, s5;
	v0 =	vmul.u32 $0x80, v0;
	s10 =	sshll.u32 s7, $0xA;
	[smem:$0x7FF] =	sst s4  }
.Ltmp0:
0xc: {  	s7 =	ssub.s32 $0x2, s7;
	s10 =	sor.u32 s10, s9;
	(pc) =	sbr.rel .LBB2_1-.Ltmp0, $4  }
0xd: {  	_ =	strace $0x80000047;
	s31 =	sshrl.u32 s7, $0x1;
	v1 =	vor.u32 $0x800, v0;
	v2 =	vor.u32 $0x1000, v0;
	s11 =	sshrl.u32 s10, $0x3  }
0xe: {  	v3 =	vor.u32 $0x1800, v0;
	v4 =	vor.u32 $0x2000, v0;
	v5 =	vor.u32 $0x2800, v0;
	s12 =	ssub.s32 s7, s31;
	s9 =	sor.u32 $0xFFE80000, s10;
	s10 =	sor.u32 $0xFFF40000, s10  }
0xf: {  	v6 =	vor.u32 $0x3000, v0;
	v7 =	vor.u32 $0x3800, v0;
	v8 =	vor.u32 $0x4000, v0;
	s6 =	sadd.s32 s6, s11;
	s8 =	sadd.s32 s8, s11;
	s11 =	smax.u32 s12, $0x1  }
0x10: {  	v9 =	vor.u32 $0x4800, v0;
	v10 =	vor.u32 $0x5000, v0;
	v11 =	vor.u32 $0x5800, v0;
	s12 =	simm.s32 $0x400;
	s7 =	sadd.s32 $0x6000, s6;
	s17 =	sadd.s32 $0x6000, s8  }
.LBB2_11:
0x11: {  	s21 =	sadd.s32 $0x1, s21  }
0x12: {  	p0 =	sne.s32 s21, s11  }
.Ltmp1:
0x13: {  	_ = 	snop;
	(pc) =	sbr.rel @!p0 .LBB2_12-.Ltmp1, $1  }
0x14: {  	_ =	sdelay $0x3  }
.LBB2_1:
0x15: {  	[tilespmem:s4], [sflag:$0x5] =	stream.strided.gather [hbm4b:s6+s12], $0x1800, s13, s12, $0x38;
	[tilespmem:$0x1F800] =	vst v63  }
0x16: {  	_ = 	snop  }
0x17: {  	[tilespmem:s14], [sflag:$0x5] =	stream.linear.gather [hbm4b:s7+s4], $0x100, $0x38;
	[tilespmem:$0x1F800] =	vst v63  }
0x18: {  	_ =	swait.ge [sflag:s15], $0x1900  }
0x19: {  	[sflag:s15] =	ssyncset.done $0x0  }
0x1a: {  	[sflag:s15] =	ssyncadd.s32 $0xFFFFE700  }
0x1b: {  	[tilespmem:s16], [sflag:$0x5] =	stream.strided.gather [hbm4b:s8+s12], $0x1800, s13, s12, $0x38;
	[tilespmem:$0x1F800] =	vst v63  }
.Ltmp2:
0x1c: {  	_ = 	snop;
	(pc) =	sbr.rel .LBB2_2-.Ltmp2, $4  }
0x1d: {  	[tilespmem:s18], [sflag:$0x5] =	stream.linear.gather [hbm4b:s17+s4], $0x100, $0x38;
	[tilespmem:$0x1F800] =	vst v63  }
0x1e: {  	_ =	swait.ge [sflag:s15], $0x1900  }
0x1f: {  	[sflag:s15] =	ssyncset.done $0x0  }
0x20: {  	s22 =	simm.s32 $0x0;
	[sflag:s15] =	ssyncadd.s32 $0xFFFFE700  }
.LBB2_6:
0x21: {  	p0 =	sgt.u32 s22, $0x18  }
0x22: {  	p1 =	seq.s32 s22, $0x0;
	s23 =	sshll.u32 @!p0 s22, $0x8;
	s24 =	simm.s32 @!p0 $0x80  }
0x23: {  	s26 =	simm.s32 @!p0 $0x3800;
	p2 =	seq.s32 @!p1 s22, $0x1A;
	s25 =	sadd.s32 @!p0 $0x1C00, s23  }
0x24: {  	[tilespmem:s26], [sflag:$0x1] =	stream.indirect.gather @!p0 [hbm4b:s5+s24], $0x80, s25, s24, $0xb8;
	[tilespmem:$0x1F800] =	vst v63  }
0x25: {  	p3 =	por p2, p1;
	s25 =	simm.s32 @!p0 $0x7800  }
0x26: {  	[tilespmem:s25], [sflag:$0x1] =	stream.indirect.gather @!p0 [hbm4b:s1+s24], $0x80, s23, s24, $0xb8;
	[tilespmem:$0x1F800] =	vst v63  }
0x27: {  	s25 =	simm.s32 @!p3 $0x2  }
0x28: {  	_ =	swait.ge @!p3 [sflag:s25], $0x4000  }
0x29: {  	[sflag:s25] =	ssyncset.done @!p3 $0x0  }
0x2a: {  	[sflag:s25] =	ssyncadd.s32 @!p3 $0xFFFFC000  }
0x2b: {  	p1 =	por p1, p2;
	_ =	swait.ge @!p3 [sflag:s25], $0x4000  }
.Ltmp3:
0x2c: {  	p4 =	slt.u32 s22, $0x2;
	[sflag:s25] =	ssyncset.done @!p3 $0x0;
	(pc) =	sbr.rel @!p1 .LBB2_7-.Ltmp3, $4  }
0x2d: {  	[sflag:s25] =	ssyncadd.s32 @!p3 $0xFFFFC000;
	s25 =	simm.s32 @!p4 $0x4  }
0x2e: {  	_ =	swait.ge @!p4 [sflag:s25], $0x6000  }
0x2f: {  	[sflag:s25] =	ssyncset.done @!p4 $0x0  }
0x30: {  	[sflag:s25] =	ssyncadd.s32 @!p4 $0xFFFFA000  }
.LBB2_10:
0x31: {  	s25 =	sadd.s32 @!p0 $0x1C80, s23;
	s26 =	simm.s32 @!p0 $0xB800  }
0x32: {  	[tilespmem:s26], [sflag:$0x2] =	stream.indirect.gather @!p0 [hbm4b:s5+s24], $0x80, s25, s24, $0xb8;
	[tilespmem:$0x1F800] =	vst v63  }
0x33: {  	s23 =	sor.u32 @!p0 $0x80, s23;
	s22 =	sadd.s32 $0x1, s22;
	s25 =	simm.s32 @!p0 $0xF800  }
0x34: {  	[tilespmem:s25], [sflag:$0x2] =	stream.indirect.gather @!p0 [hbm4b:s1+s24], $0x80, s23, s24, $0xb8;
	[tilespmem:$0x1F800] =	vst v63  }
0x35: {  	p0 =	sne.s32 s22, $0x1B  }
.Ltmp4:
0x36: {  	_ = 	snop;
	(pc) =	sbr.rel @!p0 .LBB2_11-.Ltmp4, $1  }
0x37: {  	_ =	sdelay $0x3  }
.LBB2_2:
0x38: {  	s23 =	sshll.u32 s22, $0x1  }
0x39: {  	s24 =	sadd.s32 $0xFFFFFFFE, s23  }
0x3a: {  	p0 =	sgt.u32 s24, $0x31  }
0x3b: {  	s24 =	simm.s32 @!p0 $0x1  }
0x3c: {  	_ =	swait.ge @!p0 [sflag:s24], $0x4000  }
0x3d: {  	[sflag:s24] =	ssyncset.done @!p0 $0x0  }
0x3e: {  	[sflag:s24] =	ssyncadd.s32 @!p0 $0xFFFFC000  }
0x3f: {  	s23 =	sadd.s32 $0xFFFFFFFC, s23;
	_ =	swait.ge @!p0 [sflag:s24], $0x4000  }
.Ltmp5:
0x40: {  	p1 =	sgt.u32 s23, $0x31;
	[sflag:s24] =	ssyncset.done @!p0 $0x0;
	(pc) =	sbr.rel @p0 .LBB2_6-.Ltmp5, $4  }
0x41: {  	s23 =	simm.s32 @!p1 $0x3;
	[sflag:s24] =	ssyncadd.s32 @!p0 $0xFFFFC000  }
0x42: {  	_ =	swait.ge @!p1 [sflag:s23], $0x6000  }
0x43: {  	[sflag:s23] =	ssyncset.done @!p1 $0x0  }
0x44: {  	[sflag:s23] =	ssyncadd.s32 @!p1 $0xFFFFA000  }
0x45: {  	s23 =	simm.s32 $0x0  }
0x46: {  	v12 =	vmov s23  }
0x47: {  	v12 =	vand.u32 $0x7E, v12  }
0x48: {  	v12 =	vbroadcast v12, $0x0  }
0x49: {  	s31 =	simm.s32 $0x80  }
0x4a: {  	v13 =	vld [tilespmem:s31+$0x3780];
	v14 =	vor.u32 v0, v12;
	_ =	sdelay $0x4  }
0x4b: {  	[tilespmem:v14+s19+$0x0] =	vst.idx.msk $0xffff, v13  }
0x4c: {  	v14 =	vor.u32 v1, v12;
	v13 =	vld [tilespmem:s31+$0x3790];
	_ =	sdelay $0x4  }
0x4d: {  	[tilespmem:v14+s19+$0x0] =	vst.idx.msk $0xffff, v13  }
0x4e: {  	v14 =	vor.u32 v2, v12;
	v13 =	vld [tilespmem:s31+$0x37A0];
	_ =	sdelay $0x4  }
0x4f: {  	[tilespmem:v14+s19+$0x0] =	vst.idx.msk $0xffff, v13  }
0x50: {  	v14 =	vor.u32 v3, v12;
	v13 =	vld [tilespmem:s31+$0x37B0];
	_ =	sdelay $0x4  }
0x51: {  	[tilespmem:v14+s19+$0x0] =	vst.idx.msk $0xffff, v13  }
0x52: {  	v14 =	vor.u32 v4, v12;
	v13 =	vld [tilespmem:s31+$0x7780];
	_ =	sdelay $0x4  }
0x53: {  	[tilespmem:v14+s19+$0x0] =	vst.idx.msk $0xffff, v13  }
0x54: {  	v14 =	vor.u32 v5, v12;
	v13 =	vld [tilespmem:s31+$0x7790];
	_ =	sdelay $0x4  }
0x55: {  	[tilespmem:v14+s19+$0x0] =	vst.idx.msk $0xffff, v13  }
0x56: {  	v14 =	vor.u32 v6, v12;
	v13 =	vld [tilespmem:s31+$0x77A0];
	_ =	sdelay $0x4  }
0x57: {  	[tilespmem:v14+s19+$0x0] =	vst.idx.msk $0xffff, v13  }
0x58: {  	v14 =	vor.u32 v7, v12;
	v13 =	vld [tilespmem:s31+$0x77B0];
	_ =	sdelay $0x4  }
0x59: {  	[tilespmem:v14+s19+$0x0] =	vst.idx.msk $0xffff, v13  }
0x5a: {  	v14 =	vor.u32 v8, v12;
	v13 =	vld [tilespmem:s31+$0x77C0];
	_ =	sdelay $0x4  }
0x5b: {  	[tilespmem:v14+s19+$0x0] =	vst.idx.msk $0xffff, v13  }
0x5c: {  	v14 =	vor.u32 v9, v12;
	v13 =	vld [tilespmem:s31+$0x77D0];
	_ =	sdelay $0x4  }
0x5d: {  	[tilespmem:v14+s19+$0x0] =	vst.idx.msk $0xffff, v13  }
0x5e: {  	v14 =	vor.u32 v10, v12;
	v13 =	vld [tilespmem:s31+$0x77E0];
	_ =	sdelay $0x4  }
0x5f: {  	[tilespmem:v14+s19+$0x0] =	vst.idx.msk $0xffff, v13  }
0x60: {  	v12 =	vor.u32 v11, v12;
	v13 =	vld [tilespmem:s31+$0x77F0]  }
0x61: {  	s24 =	simm.s32 $0x1  }
0x62: {  	v14 =	vmov s24  }
0x63: {  	v14 =	vand.u32 $0x7F, v14  }
0x64: {  	v14 =	vbroadcast v14, $0x0  }
0x65: {  	[tilespmem:v12+s19+$0x0] =	vst.idx.msk $0xffff, v13  }
0x66: {  	v13 =	vor.u32 v0, v14;
	v12 =	vld [tilespmem:s31+$0x3800];
	_ =	sdelay $0x4  }
0x67: {  	[tilespmem:v13+s19+$0x0] =	vst.idx.msk $0xffff, v12  }
0x68: {  	v13 =	vor.u32 v1, v14;
	v12 =	vld [tilespmem:s31+$0x3810];
	_ =	sdelay $0x4  }
0x69: {  	[tilespmem:v13+s19+$0x0] =	vst.idx.msk $0xffff, v12  }
0x6a: {  	v13 =	vor.u32 v2, v14;
	v12 =	vld [tilespmem:s31+$0x3820];
	_ =	sdelay $0x4  }
0x6b: {  	[tilespmem:v13+s19+$0x0] =	vst.idx.msk $0xffff, v12  }
0x6c: {  	v13 =	vor.u32 v3, v14;
	v12 =	vld [tilespmem:s31+$0x3830];
	_ =	sdelay $0x4  }
0x6d: {  	[tilespmem:v13+s19+$0x0] =	vst.idx.msk $0xffff, v12  }
0x6e: {  	v13 =	vor.u32 v4, v14;
	v12 =	vld [tilespmem:s31+$0x7800];
	_ =	sdelay $0x4  }
0x6f: {  	[tilespmem:v13+s19+$0x0] =	vst.idx.msk $0xffff, v12  }
0x70: {  	v13 =	vor.u32 v5, v14;
	v12 =	vld [tilespmem:s31+$0x7810];
	_ =	sdelay $0x4  }
0x71: {  	[tilespmem:v13+s19+$0x0] =	vst.idx.msk $0xffff, v12  }
0x72: {  	v13 =	vor.u32 v6, v14;
	v12 =	vld [tilespmem:s31+$0x7820];
	_ =	sdelay $0x4  }
0x73: {  	[tilespmem:v13+s19+$0x0] =	vst.idx.msk $0xffff, v12  }
0x74: {  	v13 =	vor.u32 v7, v14;
	v12 =	vld [tilespmem:s31+$0x7830];
	_ =	sdelay $0x4  }
0x75: {  	[tilespmem:v13+s19+$0x0] =	vst.idx.msk $0xffff, v12  }
0x76: {  	v13 =	vor.u32 v8, v14;
	v12 =	vld [tilespmem:s31+$0x7840];
	_ =	sdelay $0x4  }
0x77: {  	[tilespmem:v13+s19+$0x0] =	vst.idx.msk $0xffff, v12  }
0x78: {  	v13 =	vor.u32 v9, v14;
	v12 =	vld [tilespmem:s31+$0x7850];
	_ =	sdelay $0x4  }
0x79: {  	[tilespmem:v13+s19+$0x0] =	vst.idx.msk $0xffff, v12  }
0x7a: {  	v13 =	vor.u32 v10, v14;
	v12 =	vld [tilespmem:s31+$0x7860];
	_ =	sdelay $0x4  }
0x7b: {  	[tilespmem:v13+s19+$0x0] =	vst.idx.msk $0xffff, v12  }
0x7c: {  	s26 =	simm.s32 $0x2;
	v13 =	vor.u32 v11, v14;
	v12 =	vld [tilespmem:s31+$0x7870]  }
0x7d: {  	s25 =	simm.s32 $0xA00;
	s23 =	simm.s32 $0x3;
	s24 =	simm.s32 $0x600  }
.LBB2_4:
0x7e: {  	p0 =	sne.s32 s25, $0xFE00;
	v14 =	vmov s26  }
0x7f: {  	v14 =	vand.u32 $0x7E, v14  }
0x80: {  	v14 =	vbroadcast v14, $0x0  }
0x81: {  	s26 =	sshra.s32 s24, $0x2;
	s24 =	smov.u32 s25;
	[tilespmem:v13+s19+$0x0] =	vst.idx.msk $0xffff, v12  }
0x82: {  	v12 =	vld [tilespmem:s26+$0x3780];
	v13 =	vor.u32 v0, v14;
	_ =	sdelay $0x4  }
0x83: {  	[tilespmem:v13+s19+$0x0] =	vst.idx.msk $0xffff, v12  }
0x84: {  	v13 =	vor.u32 v1, v14;
	v12 =	vld [tilespmem:s26+$0x3790];
	_ =	sdelay $0x4  }
0x85: {  	[tilespmem:v13+s19+$0x0] =	vst.idx.msk $0xffff, v12  }
0x86: {  	v13 =	vor.u32 v2, v14;
	v12 =	vld [tilespmem:s26+$0x37A0];
	_ =	sdelay $0x4  }
0x87: {  	[tilespmem:v13+s19+$0x0] =	vst.idx.msk $0xffff, v12  }
0x88: {  	v13 =	vor.u32 v3, v14;
	v12 =	vld [tilespmem:s26+$0x37B0];
	_ =	sdelay $0x4  }
0x89: {  	[tilespmem:v13+s19+$0x0] =	vst.idx.msk $0xffff, v12  }
0x8a: {  	v13 =	vor.u32 v4, v14;
	v12 =	vld [tilespmem:s26+$0x7780];
	_ =	sdelay $0x4  }
0x8b: {  	[tilespmem:v13+s19+$0x0] =	vst.idx.msk $0xffff, v12  }
0x8c: {  	v13 =	vor.u32 v5, v14;
	v12 =	vld [tilespmem:s26+$0x7790];
	_ =	sdelay $0x4  }
0x8d: {  	[tilespmem:v13+s19+$0x0] =	vst.idx.msk $0xffff, v12  }
0x8e: {  	v13 =	vor.u32 v6, v14;
	v12 =	vld [tilespmem:s26+$0x77A0];
	_ =	sdelay $0x4  }
0x8f: {  	[tilespmem:v13+s19+$0x0] =	vst.idx.msk $0xffff, v12  }
0x90: {  	v13 =	vor.u32 v7, v14;
	v12 =	vld [tilespmem:s26+$0x77B0];
	_ =	sdelay $0x4  }
0x91: {  	[tilespmem:v13+s19+$0x0] =	vst.idx.msk $0xffff, v12  }
0x92: {  	v13 =	vor.u32 v8, v14;
	v12 =	vld [tilespmem:s26+$0x77C0];
	_ =	sdelay $0x4  }
0x93: {  	[tilespmem:v13+s19+$0x0] =	vst.idx.msk $0xffff, v12  }
0x94: {  	v13 =	vor.u32 v9, v14;
	v12 =	vld [tilespmem:s26+$0x77D0];
	_ =	sdelay $0x4  }
0x95: {  	[tilespmem:v13+s19+$0x0] =	vst.idx.msk $0xffff, v12  }
0x96: {  	v13 =	vor.u32 v10, v14;
	v12 =	vld [tilespmem:s26+$0x77E0];
	_ =	sdelay $0x4  }
0x97: {  	[tilespmem:v13+s19+$0x0] =	vst.idx.msk $0xffff, v12  }
0x98: {  	v13 =	vor.u32 v11, v14;
	v12 =	vld [tilespmem:s26+$0x77F0];
	_ =	sdelay $0x1  }
0x99: {  	v14 =	vmov s23  }
0x9a: {  	v14 =	vand.u32 $0x7F, v14  }
0x9b: {  	v14 =	vbroadcast v14, $0x0  }
0x9c: {  	[tilespmem:v13+s19+$0x0] =	vst.idx.msk $0xffff, v12  }
0x9d: {  	v13 =	vor.u32 v0, v14;
	v12 =	vld [tilespmem:s26+$0x3800];
	_ =	sdelay $0x4  }
0x9e: {  	[tilespmem:v13+s19+$0x0] =	vst.idx.msk $0xffff, v12  }
0x9f: {  	v13 =	vor.u32 v1, v14;
	v12 =	vld [tilespmem:s26+$0x3810];
	_ =	sdelay $0x4  }
0xa0: {  	[tilespmem:v13+s19+$0x0] =	vst.idx.msk $0xffff, v12  }
0xa1: {  	v13 =	vor.u32 v2, v14;
	v12 =	vld [tilespmem:s26+$0x3820];
	_ =	sdelay $0x4  }
0xa2: {  	[tilespmem:v13+s19+$0x0] =	vst.idx.msk $0xffff, v12  }
0xa3: {  	v13 =	vor.u32 v3, v14;
	v12 =	vld [tilespmem:s26+$0x3830];
	_ =	sdelay $0x4  }
0xa4: {  	[tilespmem:v13+s19+$0x0] =	vst.idx.msk $0xffff, v12  }
0xa5: {  	v13 =	vor.u32 v4, v14;
	v12 =	vld [tilespmem:s26+$0x7800];
	_ =	sdelay $0x4  }
0xa6: {  	[tilespmem:v13+s19+$0x0] =	vst.idx.msk $0xffff, v12  }
0xa7: {  	v13 =	vor.u32 v5, v14;
	v12 =	vld [tilespmem:s26+$0x7810];
	_ =	sdelay $0x4  }
0xa8: {  	[tilespmem:v13+s19+$0x0] =	vst.idx.msk $0xffff, v12  }
0xa9: {  	v13 =	vor.u32 v6, v14;
	v12 =	vld [tilespmem:s26+$0x7820];
	_ =	sdelay $0x4  }
0xaa: {  	[tilespmem:v13+s19+$0x0] =	vst.idx.msk $0xffff, v12  }
0xab: {  	v13 =	vor.u32 v7, v14;
	v12 =	vld [tilespmem:s26+$0x7830];
	_ =	sdelay $0x4  }
0xac: {  	[tilespmem:v13+s19+$0x0] =	vst.idx.msk $0xffff, v12  }
0xad: {  	v13 =	vor.u32 v8, v14;
	v12 =	vld [tilespmem:s26+$0x7840];
	_ =	sdelay $0x4  }
0xae: {  	[tilespmem:v13+s19+$0x0] =	vst.idx.msk $0xffff, v12  }
0xaf: {  	v13 =	vor.u32 v9, v14;
	v12 =	vld [tilespmem:s26+$0x7850];
	_ =	sdelay $0x4  }
0xb0: {  	[tilespmem:v13+s19+$0x0] =	vst.idx.msk $0xffff, v12  }
0xb1: {  	v13 =	vor.u32 v10, v14;
	v12 =	vld [tilespmem:s26+$0x7860];
	_ =	sdelay $0x2  }
.Ltmp6:
0xb2: {  	(pc) =	sbr.rel @p0 .LBB2_4-.Ltmp6, $4  }
0xb3: {  	_ = 	snop  }
0xb4: {  	[tilespmem:v13+s19+$0x0] =	vst.idx.msk $0xffff, v12  }
0xb5: {  	s23 =	sadd.s32 $0x2, s23;
	v13 =	vor.u32 v11, v14;
	v12 =	vld [tilespmem:s26+$0x7870]  }
0xb6: {  	s25 =	sadd.s32 $0x400, s25;
	s26 =	sadd.s32 $0xFFFFFFFF, s23  }
0xb7: {  	_ = 	snop  }
0xb8: {  	v14 =	vmov s26  }
0xb9: {  	v14 =	vand.u32 $0x7E, v14  }
0xba: {  	v14 =	vbroadcast v14, $0x0  }
0xbb: {  	s24 =	sshra.s32 s24, $0x2;
	[tilespmem:v13+s19+$0x0] =	vst.idx.msk $0xffff, v12  }
0xbc: {  	v12 =	vld [tilespmem:s24+$0x3780];
	v39 =	vor.u32 v0, v14;
	_ =	sdelay $0x4  }
0xbd: {  	[tilespmem:v39+s19+$0x0] =	vst.idx.msk $0xffff, v12  }
0xbe: {  	v40 =	vor.u32 v1, v14;
	v12 =	vld [tilespmem:s24+$0x3790];
	_ =	sdelay $0x4  }
0xbf: {  	[tilespmem:v40+s19+$0x0] =	vst.idx.msk $0xffff, v12  }
0xc0: {  	v41 =	vor.u32 v2, v14;
	v12 =	vld [tilespmem:s24+$0x37A0];
	_ =	sdelay $0x4  }
0xc1: {  	[tilespmem:v41+s19+$0x0] =	vst.idx.msk $0xffff, v12  }
0xc2: {  	v42 =	vor.u32 v3, v14;
	v12 =	vld [tilespmem:s24+$0x37B0];
	_ =	sdelay $0x4  }
0xc3: {  	[tilespmem:v42+s19+$0x0] =	vst.idx.msk $0xffff, v12  }
0xc4: {  	v43 =	vor.u32 v4, v14;
	v12 =	vld [tilespmem:s24+$0x7780];
	_ =	sdelay $0x4  }
0xc5: {  	[tilespmem:v43+s19+$0x0] =	vst.idx.msk $0xffff, v12  }
0xc6: {  	v44 =	vor.u32 v5, v14;
	v12 =	vld [tilespmem:s24+$0x7790];
	_ =	sdelay $0x4  }
0xc7: {  	[tilespmem:v44+s19+$0x0] =	vst.idx.msk $0xffff, v12  }
0xc8: {  	v45 =	vor.u32 v6, v14;
	v12 =	vld [tilespmem:s24+$0x77A0];
	_ =	sdelay $0x4  }
0xc9: {  	[tilespmem:v45+s19+$0x0] =	vst.idx.msk $0xffff, v12  }
0xca: {  	v46 =	vor.u32 v7, v14;
	v12 =	vld [tilespmem:s24+$0x77B0];
	_ =	sdelay $0x4  }
0xcb: {  	[tilespmem:v46+s19+$0x0] =	vst.idx.msk $0xffff, v12  }
0xcc: {  	v47 =	vor.u32 v8, v14;
	v12 =	vld [tilespmem:s24+$0x77C0];
	_ =	sdelay $0x4  }
0xcd: {  	[tilespmem:v47+s19+$0x0] =	vst.idx.msk $0xffff, v12  }
0xce: {  	v48 =	vor.u32 v9, v14;
	v12 =	vld [tilespmem:s24+$0x77D0];
	_ =	sdelay $0x4  }
0xcf: {  	[tilespmem:v48+s19+$0x0] =	vst.idx.msk $0xffff, v12  }
0xd0: {  	v49 =	vor.u32 v10, v14;
	v12 =	vld [tilespmem:s24+$0x77E0];
	_ =	sdelay $0x4  }
0xd1: {  	[tilespmem:v49+s19+$0x0] =	vst.idx.msk $0xffff, v12  }
0xd2: {  	v50 =	vor.u32 v11, v14;
	v12 =	vld [tilespmem:s24+$0x77F0];
	_ =	sdelay $0x1  }
0xd3: {  	v51 =	vmov s23  }
0xd4: {  	v14 =	vand.u32 $0x7F, v51  }
0xd5: {  	v14 =	vbroadcast v14, $0x0  }
0xd6: {  	[tilespmem:v50+s19+$0x0] =	vst.idx.msk $0xffff, v12  }
0xd7: {  	v52 =	vor.u32 v0, v14;
	v12 =	vld [tilespmem:s24+$0x3800];
	_ =	sdelay $0x4  }
0xd8: {  	[tilespmem:v52+s19+$0x0] =	vst.idx.msk $0xffff, v12  }
0xd9: {  	v53 =	vor.u32 v1, v14;
	v12 =	vld [tilespmem:s24+$0x3810];
	_ =	sdelay $0x4  }
0xda: {  	[tilespmem:v53+s19+$0x0] =	vst.idx.msk $0xffff, v12  }
0xdb: {  	v54 =	vor.u32 v2, v14;
	v12 =	vld [tilespmem:s24+$0x3820];
	_ =	sdelay $0x4  }
0xdc: {  	[tilespmem:v54+s19+$0x0] =	vst.idx.msk $0xffff, v12  }
0xdd: {  	v55 =	vor.u32 v3, v14;
	v12 =	vld [tilespmem:s24+$0x3830];
	_ =	sdelay $0x4  }
0xde: {  	[tilespmem:v55+s19+$0x0] =	vst.idx.msk $0xffff, v12  }
0xdf: {  	v56 =	vor.u32 v4, v14;
	v12 =	vld [tilespmem:s24+$0x7800];
	_ =	sdelay $0x4  }
0xe0: {  	[tilespmem:v56+s19+$0x0] =	vst.idx.msk $0xffff, v12  }
0xe1: {  	v57 =	vor.u32 v5, v14;
	v12 =	vld [tilespmem:s24+$0x7810];
	_ =	sdelay $0x4  }
0xe2: {  	[tilespmem:v57+s19+$0x0] =	vst.idx.msk $0xffff, v12  }
0xe3: {  	v58 =	vor.u32 v6, v14;
	v12 =	vld [tilespmem:s24+$0x7820];
	_ =	sdelay $0x4  }
0xe4: {  	[tilespmem:v58+s19+$0x0] =	vst.idx.msk $0xffff, v12  }
0xe5: {  	v59 =	vor.u32 v7, v14;
	v12 =	vld [tilespmem:s24+$0x7830];
	_ =	sdelay $0x4  }
0xe6: {  	[tilespmem:v59+s19+$0x0] =	vst.idx.msk $0xffff, v12  }
0xe7: {  	v60 =	vor.u32 v8, v14;
	v12 =	vld [tilespmem:s24+$0x7840];
	_ =	sdelay $0x4  }
0xe8: {  	[tilespmem:v60+s19+$0x0] =	vst.idx.msk $0xffff, v12  }
0xe9: {  	v61 =	vor.u32 v9, v14;
	v12 =	vld [tilespmem:s24+$0x7850];
	_ =	sdelay $0x4  }
0xea: {  	[tilespmem:v61+s19+$0x0] =	vst.idx.msk $0xffff, v12  }
0xeb: {  	v62 =	vor.u32 v10, v14;
	v12 =	vld [tilespmem:s24+$0x7860];
	_ =	sdelay $0x4  }
0xec: {  	[tilespmem:v62+s19+$0x0] =	vst.idx.msk $0xffff, v12  }
0xed: {  	v63 =	vor.u32 v11, v14;
	v12 =	vld [tilespmem:s24+$0x7870]  }
0xee: {  	s31 =	smul.u32 $0x180000, s22  }
.Ltmp7:
0xef: {  	_ = 	snop;
	(pc) =	sbr.rel .LBB2_6-.Ltmp7, $4  }
0xf0: {  	s23 =	sadd.s32 s9, s31  }
0xf1: {  	s23 =	sshrl.u32 s23, $0x3  }
0xf2: {  	s23 =	sadd.s32 s3, s23;
	[tilespmem:v63+s19+$0x0] =	vst.idx.msk $0xffff, v12  }
0xf3: {  	[hbm4b:s23+s12] =	stream.strided.scatter [tilespmem:s19], [sflag:$0x3], $0x6000, s13, s12, $0x38;
	[tilespmem:$0x1F800] =	vst v63  }
.LBB2_7:
0xf4: {  	s25 =	simm.s32 $0x0  }
0xf5: {  	v12 =	vmov s25  }
0xf6: {  	v12 =	vand.u32 $0x7E, v12  }
0xf7: {  	v12 =	vbroadcast v12, $0x0  }
0xf8: {  	s31 =	simm.s32 $0x80  }
0xf9: {  	v13 =	vld [tilespmem:s31+$0xB780];
	v14 =	vor.u32 v0, v12;
	_ =	sdelay $0x4  }
0xfa: {  	[tilespmem:v14+s20+$0x0] =	vst.idx.msk $0xffff, v13  }
0xfb: {  	v14 =	vor.u32 v1, v12;
	v13 =	vld [tilespmem:s31+$0xB790];
	_ =	sdelay $0x4  }
0xfc: {  	[tilespmem:v14+s20+$0x0] =	vst.idx.msk $0xffff, v13  }
0xfd: {  	v14 =	vor.u32 v2, v12;
	v13 =	vld [tilespmem:s31+$0xB7A0];
	_ =	sdelay $0x4  }
0xfe: {  	[tilespmem:v14+s20+$0x0] =	vst.idx.msk $0xffff, v13  }
0xff: {  	v14 =	vor.u32 v3, v12;
	v13 =	vld [tilespmem:s31+$0xB7B0];
	_ =	sdelay $0x4  }
0x100: {  	[tilespmem:v14+s20+$0x0] =	vst.idx.msk $0xffff, v13  }
0x101: {  	v14 =	vor.u32 v4, v12;
	v13 =	vld [tilespmem:s31+$0xF780];
	_ =	sdelay $0x4  }
0x102: {  	[tilespmem:v14+s20+$0x0] =	vst.idx.msk $0xffff, v13  }
0x103: {  	v14 =	vor.u32 v5, v12;
	v13 =	vld [tilespmem:s31+$0xF790];
	_ =	sdelay $0x4  }
0x104: {  	[tilespmem:v14+s20+$0x0] =	vst.idx.msk $0xffff, v13  }
0x105: {  	v14 =	vor.u32 v6, v12;
	v13 =	vld [tilespmem:s31+$0xF7A0];
	_ =	sdelay $0x4  }
0x106: {  	[tilespmem:v14+s20+$0x0] =	vst.idx.msk $0xffff, v13  }
0x107: {  	v14 =	vor.u32 v7, v12;
	v13 =	vld [tilespmem:s31+$0xF7B0];
	_ =	sdelay $0x4  }
0x108: {  	[tilespmem:v14+s20+$0x0] =	vst.idx.msk $0xffff, v13  }
0x109: {  	v14 =	vor.u32 v8, v12;
	v13 =	vld [tilespmem:s31+$0xF7C0];
	_ =	sdelay $0x4  }
0x10a: {  	[tilespmem:v14+s20+$0x0] =	vst.idx.msk $0xffff, v13  }
0x10b: {  	v14 =	vor.u32 v9, v12;
	v13 =	vld [tilespmem:s31+$0xF7D0];
	_ =	sdelay $0x4  }
0x10c: {  	[tilespmem:v14+s20+$0x0] =	vst.idx.msk $0xffff, v13  }
0x10d: {  	v14 =	vor.u32 v10, v12;
	v13 =	vld [tilespmem:s31+$0xF7E0];
	_ =	sdelay $0x4  }
0x10e: {  	[tilespmem:v14+s20+$0x0] =	vst.idx.msk $0xffff, v13  }
0x10f: {  	v12 =	vor.u32 v11, v12;
	v13 =	vld [tilespmem:s31+$0xF7F0]  }
0x110: {  	s26 =	simm.s32 $0x1  }
0x111: {  	v14 =	vmov s26  }
0x112: {  	v14 =	vand.u32 $0x7F, v14  }
0x113: {  	v14 =	vbroadcast v14, $0x0  }
0x114: {  	[tilespmem:v12+s20+$0x0] =	vst.idx.msk $0xffff, v13  }
0x115: {  	v13 =	vor.u32 v0, v14;
	v12 =	vld [tilespmem:s31+$0xB800];
	_ =	sdelay $0x4  }
0x116: {  	[tilespmem:v13+s20+$0x0] =	vst.idx.msk $0xffff, v12  }
0x117: {  	v13 =	vor.u32 v1, v14;
	v12 =	vld [tilespmem:s31+$0xB810];
	_ =	sdelay $0x4  }
0x118: {  	[tilespmem:v13+s20+$0x0] =	vst.idx.msk $0xffff, v12  }
0x119: {  	v13 =	vor.u32 v2, v14;
	v12 =	vld [tilespmem:s31+$0xB820];
	_ =	sdelay $0x4  }
0x11a: {  	[tilespmem:v13+s20+$0x0] =	vst.idx.msk $0xffff, v12  }
0x11b: {  	v13 =	vor.u32 v3, v14;
	v12 =	vld [tilespmem:s31+$0xB830];
	_ =	sdelay $0x4  }
0x11c: {  	[tilespmem:v13+s20+$0x0] =	vst.idx.msk $0xffff, v12  }
0x11d: {  	v13 =	vor.u32 v4, v14;
	v12 =	vld [tilespmem:s31+$0xF800];
	_ =	sdelay $0x4  }
0x11e: {  	[tilespmem:v13+s20+$0x0] =	vst.idx.msk $0xffff, v12  }
0x11f: {  	v13 =	vor.u32 v5, v14;
	v12 =	vld [tilespmem:s31+$0xF810];
	_ =	sdelay $0x4  }
0x120: {  	[tilespmem:v13+s20+$0x0] =	vst.idx.msk $0xffff, v12  }
0x121: {  	v13 =	vor.u32 v6, v14;
	v12 =	vld [tilespmem:s31+$0xF820];
	_ =	sdelay $0x4  }
0x122: {  	[tilespmem:v13+s20+$0x0] =	vst.idx.msk $0xffff, v12  }
0x123: {  	v13 =	vor.u32 v7, v14;
	v12 =	vld [tilespmem:s31+$0xF830];
	_ =	sdelay $0x4  }
0x124: {  	[tilespmem:v13+s20+$0x0] =	vst.idx.msk $0xffff, v12  }
0x125: {  	v13 =	vor.u32 v8, v14;
	v12 =	vld [tilespmem:s31+$0xF840];
	_ =	sdelay $0x4  }
0x126: {  	[tilespmem:v13+s20+$0x0] =	vst.idx.msk $0xffff, v12  }
0x127: {  	v13 =	vor.u32 v9, v14;
	v12 =	vld [tilespmem:s31+$0xF850];
	_ =	sdelay $0x4  }
0x128: {  	[tilespmem:v13+s20+$0x0] =	vst.idx.msk $0xffff, v12  }
0x129: {  	v13 =	vor.u32 v10, v14;
	v12 =	vld [tilespmem:s31+$0xF860];
	_ =	sdelay $0x4  }
0x12a: {  	[tilespmem:v13+s20+$0x0] =	vst.idx.msk $0xffff, v12  }
0x12b: {  	s29 =	simm.s32 $0x2;
	v13 =	vor.u32 v11, v14;
	v12 =	vld [tilespmem:s31+$0xF870]  }
0x12c: {  	s28 =	simm.s32 $0xA00;
	s25 =	simm.s32 $0x3;
	s26 =	simm.s32 $0x600  }
.LBB2_8:
0x12d: {  	p1 =	sne.s32 s28, $0xFE00;
	v14 =	vmov s29  }
0x12e: {  	v14 =	vand.u32 $0x7E, v14  }
0x12f: {  	v14 =	vbroadcast v14, $0x0  }
0x130: {  	s29 =	sshra.s32 s26, $0x2;
	s26 =	smov.u32 s28;
	[tilespmem:v13+s20+$0x0] =	vst.idx.msk $0xffff, v12  }
0x131: {  	v12 =	vld [tilespmem:s29+$0xB780];
	v13 =	vor.u32 v0, v14;
	_ =	sdelay $0x4  }
0x132: {  	[tilespmem:v13+s20+$0x0] =	vst.idx.msk $0xffff, v12  }
0x133: {  	v13 =	vor.u32 v1, v14;
	v12 =	vld [tilespmem:s29+$0xB790];
	_ =	sdelay $0x4  }
0x134: {  	[tilespmem:v13+s20+$0x0] =	vst.idx.msk $0xffff, v12  }
0x135: {  	v13 =	vor.u32 v2, v14;
	v12 =	vld [tilespmem:s29+$0xB7A0];
	_ =	sdelay $0x4  }
0x136: {  	[tilespmem:v13+s20+$0x0] =	vst.idx.msk $0xffff, v12  }
0x137: {  	v13 =	vor.u32 v3, v14;
	v12 =	vld [tilespmem:s29+$0xB7B0];
	_ =	sdelay $0x4  }
0x138: {  	[tilespmem:v13+s20+$0x0] =	vst.idx.msk $0xffff, v12  }
0x139: {  	v13 =	vor.u32 v4, v14;
	v12 =	vld [tilespmem:s29+$0xF780];
	_ =	sdelay $0x4  }
0x13a: {  	[tilespmem:v13+s20+$0x0] =	vst.idx.msk $0xffff, v12  }
0x13b: {  	v13 =	vor.u32 v5, v14;
	v12 =	vld [tilespmem:s29+$0xF790];
	_ =	sdelay $0x4  }
0x13c: {  	[tilespmem:v13+s20+$0x0] =	vst.idx.msk $0xffff, v12  }
0x13d: {  	v13 =	vor.u32 v6, v14;
	v12 =	vld [tilespmem:s29+$0xF7A0];
	_ =	sdelay $0x4  }
0x13e: {  	[tilespmem:v13+s20+$0x0] =	vst.idx.msk $0xffff, v12  }
0x13f: {  	v13 =	vor.u32 v7, v14;
	v12 =	vld [tilespmem:s29+$0xF7B0];
	_ =	sdelay $0x4  }
0x140: {  	[tilespmem:v13+s20+$0x0] =	vst.idx.msk $0xffff, v12  }
0x141: {  	v13 =	vor.u32 v8, v14;
	v12 =	vld [tilespmem:s29+$0xF7C0];
	_ =	sdelay $0x4  }
0x142: {  	[tilespmem:v13+s20+$0x0] =	vst.idx.msk $0xffff, v12  }
0x143: {  	v13 =	vor.u32 v9, v14;
	v12 =	vld [tilespmem:s29+$0xF7D0];
	_ =	sdelay $0x4  }
0x144: {  	[tilespmem:v13+s20+$0x0] =	vst.idx.msk $0xffff, v12  }
0x145: {  	v13 =	vor.u32 v10, v14;
	v12 =	vld [tilespmem:s29+$0xF7E0];
	_ =	sdelay $0x4  }
0x146: {  	[tilespmem:v13+s20+$0x0] =	vst.idx.msk $0xffff, v12  }
0x147: {  	v13 =	vor.u32 v11, v14;
	v12 =	vld [tilespmem:s29+$0xF7F0];
	_ =	sdelay $0x1  }
0x148: {  	v14 =	vmov s25  }
0x149: {  	v14 =	vand.u32 $0x7F, v14  }
0x14a: {  	v14 =	vbroadcast v14, $0x0  }
0x14b: {  	[tilespmem:v13+s20+$0x0] =	vst.idx.msk $0xffff, v12  }
0x14c: {  	v13 =	vor.u32 v0, v14;
	v12 =	vld [tilespmem:s29+$0xB800];
	_ =	sdelay $0x4  }
0x14d: {  	[tilespmem:v13+s20+$0x0] =	vst.idx.msk $0xffff, v12  }
0x14e: {  	v13 =	vor.u32 v1, v14;
	v12 =	vld [tilespmem:s29+$0xB810];
	_ =	sdelay $0x4  }
0x14f: {  	[tilespmem:v13+s20+$0x0] =	vst.idx.msk $0xffff, v12  }
0x150: {  	v13 =	vor.u32 v2, v14;
	v12 =	vld [tilespmem:s29+$0xB820];
	_ =	sdelay $0x4  }
0x151: {  	[tilespmem:v13+s20+$0x0] =	vst.idx.msk $0xffff, v12  }
0x152: {  	v13 =	vor.u32 v3, v14;
	v12 =	vld [tilespmem:s29+$0xB830];
	_ =	sdelay $0x4  }
0x153: {  	[tilespmem:v13+s20+$0x0] =	vst.idx.msk $0xffff, v12  }
0x154: {  	v13 =	vor.u32 v4, v14;
	v12 =	vld [tilespmem:s29+$0xF800];
	_ =	sdelay $0x4  }
0x155: {  	[tilespmem:v13+s20+$0x0] =	vst.idx.msk $0xffff, v12  }
0x156: {  	v13 =	vor.u32 v5, v14;
	v12 =	vld [tilespmem:s29+$0xF810];
	_ =	sdelay $0x4  }
0x157: {  	[tilespmem:v13+s20+$0x0] =	vst.idx.msk $0xffff, v12  }
0x158: {  	v13 =	vor.u32 v6, v14;
	v12 =	vld [tilespmem:s29+$0xF820];
	_ =	sdelay $0x4  }
0x159: {  	[tilespmem:v13+s20+$0x0] =	vst.idx.msk $0xffff, v12  }
0x15a: {  	v13 =	vor.u32 v7, v14;
	v12 =	vld [tilespmem:s29+$0xF830];
	_ =	sdelay $0x4  }
0x15b: {  	[tilespmem:v13+s20+$0x0] =	vst.idx.msk $0xffff, v12  }
0x15c: {  	v13 =	vor.u32 v8, v14;
	v12 =	vld [tilespmem:s29+$0xF840];
	_ =	sdelay $0x4  }
0x15d: {  	[tilespmem:v13+s20+$0x0] =	vst.idx.msk $0xffff, v12  }
0x15e: {  	v13 =	vor.u32 v9, v14;
	v12 =	vld [tilespmem:s29+$0xF850];
	_ =	sdelay $0x4  }
0x15f: {  	[tilespmem:v13+s20+$0x0] =	vst.idx.msk $0xffff, v12  }
0x160: {  	v13 =	vor.u32 v10, v14;
	v12 =	vld [tilespmem:s29+$0xF860];
	_ =	sdelay $0x2  }
.Ltmp8:
0x161: {  	(pc) =	sbr.rel @p1 .LBB2_8-.Ltmp8, $4  }
0x162: {  	_ = 	snop  }
0x163: {  	[tilespmem:v13+s20+$0x0] =	vst.idx.msk $0xffff, v12  }
0x164: {  	s25 =	sadd.s32 $0x2, s25;
	v13 =	vor.u32 v11, v14;
	v12 =	vld [tilespmem:s29+$0xF870]  }
0x165: {  	s28 =	sadd.s32 $0x400, s28;
	s29 =	sadd.s32 $0xFFFFFFFF, s25  }
0x166: {  	_ = 	snop  }
0x167: {  	v14 =	vmov s29  }
0x168: {  	v14 =	vand.u32 $0x7E, v14  }
0x169: {  	v14 =	vbroadcast v14, $0x0  }
0x16a: {  	s26 =	sshra.s32 s26, $0x2;
	[tilespmem:v13+s20+$0x0] =	vst.idx.msk $0xffff, v12  }
0x16b: {  	v12 =	vld [tilespmem:s26+$0xB780];
	v39 =	vor.u32 v0, v14;
	_ =	sdelay $0x4  }
0x16c: {  	[tilespmem:v39+s20+$0x0] =	vst.idx.msk $0xffff, v12  }
0x16d: {  	v40 =	vor.u32 v1, v14;
	v12 =	vld [tilespmem:s26+$0xB790];
	_ =	sdelay $0x4  }
0x16e: {  	[tilespmem:v40+s20+$0x0] =	vst.idx.msk $0xffff, v12  }
0x16f: {  	v41 =	vor.u32 v2, v14;
	v12 =	vld [tilespmem:s26+$0xB7A0];
	_ =	sdelay $0x4  }
0x170: {  	[tilespmem:v41+s20+$0x0] =	vst.idx.msk $0xffff, v12  }
0x171: {  	v42 =	vor.u32 v3, v14;
	v12 =	vld [tilespmem:s26+$0xB7B0];
	_ =	sdelay $0x4  }
0x172: {  	[tilespmem:v42+s20+$0x0] =	vst.idx.msk $0xffff, v12  }
0x173: {  	v43 =	vor.u32 v4, v14;
	v12 =	vld [tilespmem:s26+$0xF780];
	_ =	sdelay $0x4  }
0x174: {  	[tilespmem:v43+s20+$0x0] =	vst.idx.msk $0xffff, v12  }
0x175: {  	v44 =	vor.u32 v5, v14;
	v12 =	vld [tilespmem:s26+$0xF790];
	_ =	sdelay $0x4  }
0x176: {  	[tilespmem:v44+s20+$0x0] =	vst.idx.msk $0xffff, v12  }
0x177: {  	v45 =	vor.u32 v6, v14;
	v12 =	vld [tilespmem:s26+$0xF7A0];
	_ =	sdelay $0x4  }
0x178: {  	[tilespmem:v45+s20+$0x0] =	vst.idx.msk $0xffff, v12  }
0x179: {  	v46 =	vor.u32 v7, v14;
	v12 =	vld [tilespmem:s26+$0xF7B0];
	_ =	sdelay $0x4  }
0x17a: {  	[tilespmem:v46+s20+$0x0] =	vst.idx.msk $0xffff, v12  }
0x17b: {  	v47 =	vor.u32 v8, v14;
	v12 =	vld [tilespmem:s26+$0xF7C0];
	_ =	sdelay $0x4  }
0x17c: {  	[tilespmem:v47+s20+$0x0] =	vst.idx.msk $0xffff, v12  }
0x17d: {  	v48 =	vor.u32 v9, v14;
	v12 =	vld [tilespmem:s26+$0xF7D0];
	_ =	sdelay $0x4  }
0x17e: {  	[tilespmem:v48+s20+$0x0] =	vst.idx.msk $0xffff, v12  }
0x17f: {  	v49 =	vor.u32 v10, v14;
	v12 =	vld [tilespmem:s26+$0xF7E0];
	_ =	sdelay $0x4  }
0x180: {  	[tilespmem:v49+s20+$0x0] =	vst.idx.msk $0xffff, v12  }
0x181: {  	v50 =	vor.u32 v11, v14;
	v12 =	vld [tilespmem:s26+$0xF7F0];
	_ =	sdelay $0x1  }
0x182: {  	v51 =	vmov s25  }
0x183: {  	v14 =	vand.u32 $0x7F, v51  }
0x184: {  	v14 =	vbroadcast v14, $0x0  }
0x185: {  	[tilespmem:v50+s20+$0x0] =	vst.idx.msk $0xffff, v12  }
0x186: {  	v52 =	vor.u32 v0, v14;
	v12 =	vld [tilespmem:s26+$0xB800];
	_ =	sdelay $0x4  }
0x187: {  	[tilespmem:v52+s20+$0x0] =	vst.idx.msk $0xffff, v12  }
0x188: {  	v53 =	vor.u32 v1, v14;
	v12 =	vld [tilespmem:s26+$0xB810];
	_ =	sdelay $0x4  }
0x189: {  	[tilespmem:v53+s20+$0x0] =	vst.idx.msk $0xffff, v12  }
0x18a: {  	v54 =	vor.u32 v2, v14;
	v12 =	vld [tilespmem:s26+$0xB820];
	_ =	sdelay $0x4  }
0x18b: {  	[tilespmem:v54+s20+$0x0] =	vst.idx.msk $0xffff, v12  }
0x18c: {  	v55 =	vor.u32 v3, v14;
	v12 =	vld [tilespmem:s26+$0xB830];
	_ =	sdelay $0x4  }
0x18d: {  	[tilespmem:v55+s20+$0x0] =	vst.idx.msk $0xffff, v12  }
0x18e: {  	v56 =	vor.u32 v4, v14;
	v12 =	vld [tilespmem:s26+$0xF800];
	_ =	sdelay $0x4  }
0x18f: {  	[tilespmem:v56+s20+$0x0] =	vst.idx.msk $0xffff, v12  }
0x190: {  	v57 =	vor.u32 v5, v14;
	v12 =	vld [tilespmem:s26+$0xF810];
	_ =	sdelay $0x4  }
0x191: {  	[tilespmem:v57+s20+$0x0] =	vst.idx.msk $0xffff, v12  }
0x192: {  	v58 =	vor.u32 v6, v14;
	v12 =	vld [tilespmem:s26+$0xF820];
	_ =	sdelay $0x4  }
0x193: {  	[tilespmem:v58+s20+$0x0] =	vst.idx.msk $0xffff, v12  }
0x194: {  	v59 =	vor.u32 v7, v14;
	v12 =	vld [tilespmem:s26+$0xF830];
	_ =	sdelay $0x4  }
0x195: {  	[tilespmem:v59+s20+$0x0] =	vst.idx.msk $0xffff, v12  }
0x196: {  	v60 =	vor.u32 v8, v14;
	v12 =	vld [tilespmem:s26+$0xF840];
	_ =	sdelay $0x4  }
0x197: {  	[tilespmem:v60+s20+$0x0] =	vst.idx.msk $0xffff, v12  }
0x198: {  	v61 =	vor.u32 v9, v14;
	v12 =	vld [tilespmem:s26+$0xF850];
	_ =	sdelay $0x4  }
0x199: {  	[tilespmem:v61+s20+$0x0] =	vst.idx.msk $0xffff, v12  }
0x19a: {  	v62 =	vor.u32 v10, v14;
	v12 =	vld [tilespmem:s26+$0xF860];
	_ =	sdelay $0x4  }
0x19b: {  	[tilespmem:v62+s20+$0x0] =	vst.idx.msk $0xffff, v12  }
0x19c: {  	v63 =	vor.u32 v11, v14;
	v12 =	vld [tilespmem:s26+$0xF870]  }
0x19d: {  	s31 =	smul.u32 $0x180000, s22  }
.Ltmp9:
0x19e: {  	_ = 	snop;
	(pc) =	sbr.rel .LBB2_10-.Ltmp9, $4  }
0x19f: {  	s25 =	sadd.s32 s10, s31  }
0x1a0: {  	s25 =	sshrl.u32 s25, $0x3  }
0x1a1: {  	s25 =	sadd.s32 s3, s25;
	[tilespmem:v63+s20+$0x0] =	vst.idx.msk $0xffff, v12  }
0x1a2: {  	[hbm4b:s25+s12] =	stream.strided.scatter [tilespmem:s20], [sflag:$0x4], $0x6000, s13, s12, $0x38;
	[tilespmem:$0x1F800] =	vst v63  }
.LBB2_12:
0x1a3: {  	_ =	sfence.sel $0x180000  }
0x1a4: {  	[bflag:$0x0] =	sbarrier.arrive $0xFFFF  }
0x1a5: {  	p0 =	sne.s32 s2, $0x0;
	_ =	strace $0x90000047  }
0x1a6: {  	s0 =	sadd.s32 @!p0 $0x100000, s0;
	[bflag:$0x2] =	sbarrier.arrive $0xFFFF  }
0x1a7: {  	[sflag:s0] =	ssyncadd.tile.s32 @!p0 $0x1;
	_ =	shalt  }
.Lfunc_end2:
_tile_overlayer_lowered:
.L_overlay_start_2:
0x1a8: {  	(tag) =	ssettag $0x2  }
0x1a9: {  	s0 =	rddreg [dreg:$0x0];
	s2 =	stileid.u32  }
0x1aa: {  	s1 =	rddreg [dreg:$0x1];
	p0 =	sne.s32 s2, $0x0  }
0x1ab: {  	s3 =	rddreg [dreg:$0x2];
	[bflag:$0x3] =	sbarrier.arrive $0xFFFF;
	s2 =	simm.s32 @!p0 $0x1C05  }
0x1ac: {  	[timem:s3], [sflag:s2] =	dma.local @!p0 [hbm:s0], s1  }
0x1ad: {  	s0 =	simm.s32 @!p0 $0x5  }
0x1ae: {  	_ =	swait.ge @!p0 [sflag:s0], s1  }
0x1af: {  	s1 =	ssub.s32 @!p0 $0x0, s1;
	[sflag:s0] =	ssyncset.done @!p0 $0x0  }
0x1b0: {  	[sflag:s0] =	ssyncadd.s32 @!p0 s1  }
0x1b1: {  	[bflag:$0x3] =	sbarrier.arrive $0xFFFF  }
0x1b2: {  	_ =	shalt  }

</sc_bundles>
